<compile_context>
chip_gen: v7x
topology: tpu7x:2x2x1
jax: 0.10.2.dev20260603
libtpu: 0.0.44.dev20260713+nightly
codegen_flags: <defaults>
</compile_context>

<pallas_src>
import functools

import jax
import jax.numpy as jnp
from jax import lax
from jax.experimental import pallas as pl
from jax.experimental.pallas import tpu as pltpu
from jax.experimental.pallas import tpu_sc as plsc

NQ = 1024
D = 32
NUM_ITEMS = 100000
ITEM_BLOCK = 4000
NUM_BLOCKS = NUM_ITEMS // ITEM_BLOCK
_COLBITS = 4096


def _argmax_body(q_ref, items_ref, key_ref, idx_ref):
    b = pl.program_id(0)
    scores = lax.dot_general(
        q_ref[...], items_ref[...], (((1,), (1,)), ((), ())),
        preferred_element_type=jnp.float32)
    colcomp = (_COLBITS - 1) - lax.broadcasted_iota(
        jnp.int32, (NQ, ITEM_BLOCK), 1)
    packed = (lax.bitcast_convert_type(scores + 64.0, jnp.int32)
              & jnp.int32(-_COLBITS)) | colcomp
    packed_f = lax.bitcast_convert_type(packed, jnp.float32)
    blk_key = jnp.max(packed_f, axis=1, keepdims=True)
    blk_key_i = lax.bitcast_convert_type(blk_key, jnp.int32)
    blk_idx = ((_COLBITS - 1) - (blk_key_i & (_COLBITS - 1))
               + b * ITEM_BLOCK)

    @pl.when(b == 0)
    def _():
        key_ref[...] = blk_key
        idx_ref[...] = blk_idx

    @pl.when(b != 0)
    def _():
        prev = key_ref[...]
        better = blk_key > prev
        key_ref[...] = jnp.where(better, blk_key, prev)
        idx_ref[...] = jnp.where(better, blk_idx, idx_ref[...])


_argmax_call = pl.pallas_call(
    _argmax_body,
    grid=(NUM_BLOCKS,),
    in_specs=[
        pl.BlockSpec((NQ, D), lambda b: (0, 0)),
        pl.BlockSpec((ITEM_BLOCK, D), lambda b: (b, 0)),
    ],
    out_specs=[
        pl.BlockSpec((NQ, 1), lambda b: (0, 0)),
        pl.BlockSpec((NQ, 1), lambda b: (0, 0)),
    ],
    out_shape=[
        jax.ShapeDtypeStruct((NQ, 1), jnp.float32),
        jax.ShapeDtypeStruct((NQ, 1), jnp.int32),
    ],
)

_info = plsc.get_sparse_core_info()
_NC, _NS = _info.num_cores, _info.num_subcores
NW = _NC * _NS
BPW = NQ // NW


GROUP_ROWS = NUM_ITEMS * D // 128


@functools.partial(
    pl.kernel,
    mesh=plsc.VectorSubcoreMesh(core_axis_name="c", subcore_axis_name="s"),
    out_type=jax.ShapeDtypeStruct((NW, 16), jnp.float32),
    scratch_types=[
        pltpu.VMEM((BPW,), jnp.int32),
        pltpu.VMEM((BPW,), jnp.int32),
        pltpu.VMEM((BPW, 128), jnp.float32),
        pltpu.VMEM((BPW, D), jnp.float32),
        pltpu.VMEM((16,), jnp.float32),
        pltpu.SemaphoreType.DMA,
    ],
    compiler_params=pltpu.CompilerParams(use_tc_tiling_on_sc=False,
                                         needs_layout_passes=False),
)
def _gather_loss(items_hbm, idx_hbm, q_hbm, out_hbm, idx_v, grp_v, rows_v,
                 q_v, acc_v, sem):
    wid = lax.axis_index("s") * _NC + lax.axis_index("c")
    base = wid * BPW
    pltpu.sync_copy(idx_hbm.at[pl.ds(base, BPW)], idx_v)
    for ch in range(BPW // 16):
        grp_v[pl.ds(ch * 16, 16)] = idx_v[pl.ds(ch * 16, 16)] >> 2
    pltpu.async_copy(items_hbm.at[grp_v], rows_v, sem).wait()
    pltpu.sync_copy(q_hbm.at[pl.ds(base, BPW)], q_v)
    iota16 = lax.iota(jnp.int32, 16)
    acc = jnp.zeros((16,), jnp.float32)
    for ch in range(BPW // 16):
        o16 = (idx_v[pl.ds(ch * 16, 16)] & 3) * D
        row16 = iota16 + ch * 16
        for c in range(D):
            v = plsc.load_gather(rows_v, [row16, o16 + c])
            qv = plsc.load_gather(q_v, [row16, jnp.full((16,), c, jnp.int32)])
            d = qv - v
            acc = acc + d * d
    acc_v[...] = acc
    pltpu.sync_copy(acc_v, out_hbm.at[wid])


def kernel(queries, items):
    q = queries.reshape(NQ, D)
    _, idx2d = _argmax_call(q, items)
    idx = idx2d.reshape(NQ)
    items_r = items.reshape(GROUP_ROWS, 128)
    partials = _gather_loss(items_r, idx, q)
    return jnp.sum(partials) / (NQ * D)

# --- scband reference (transcript-rebuilt; emitter-appended) ---
"""Pipeline reference for scband-gathering-loss-26001732010460 (READ-ONLY COPY).

The authoritative reference and input builder live on the scoring server;
editing this copy changes nothing except your own understanding.
"""

import jax, jax.numpy as jnp
import numpy as np


def setup_inputs(seed: int = 0) -> dict:
    key = jax.random.key(seed)
    k1, k2 = jax.random.split(key)
    queries = jax.random.normal(k1, (1024, 32), dtype=jnp.float32)
    items = jax.random.normal(k2, (100000, 32), dtype=jnp.float32)
    return {"queries": queries, "items": items}


def reference(queries, items):
    d_model = queries.shape[-1]
    q = queries.reshape(-1, d_model)
    # get_score: matmul + softmax over items axis
    score = jnp.matmul(q, items.T)
    score = jax.nn.softmax(score, axis=1)
    # top-1 nearest memory item by softmax score
    _, indices = jax.lax.top_k(score, 1)
    gathered = jnp.take(items, indices[:, 0], axis=0)  # items[indices].squeeze(1)
    gathering_loss = (q - gathered) ** 2  # MSELoss(reduction='none')
    # reduce=True -> mean over all elements
    return jnp.mean(gathering_loss)

if __name__ == "__main__":
    import jax
    _d = setup_inputs()
    print(jax.jit(kernel)(*tuple(_d.values())))

</pallas_src>

<mosaic_0001>
#map = affine_map<(d0, d1) -> (0, 0)>
#map1 = affine_map<(d0, d1) -> (0)>
module attributes {stable_mosaic.version = 14 : i64} {
  func.func @_gather_loss(%arg0: i32, %arg1: i32, %arg2: memref<25000x128xf32, #tpu.memory_space<hbm>>, %arg3: memref<1024xi32, #tpu.memory_space<hbm>>, %arg4: memref<1024x32xf32, #tpu.memory_space<hbm>>, %arg5: memref<32x16xf32, #tpu.memory_space<hbm>>, %arg6: memref<32xi32, #tpu.memory_space<vmem>>, %arg7: memref<32xi32, #tpu.memory_space<vmem>>, %arg8: memref<32x128xf32, #tpu.memory_space<vmem>>, %arg9: memref<32x32xf32, #tpu.memory_space<vmem>>, %arg10: memref<16xf32, #tpu.memory_space<vmem>>, %arg11: memref<!tpu.dma_semaphore, #tpu.memory_space<semaphore_mem>>) attributes {dimension_semantics = [#tpu.dimension_semantics<core_parallel>, #tpu.dimension_semantics<subcore_parallel>], iteration_bounds = array<i64: 2, 16>, scalar_prefetch = 0 : i64, scratch_operands = 6 : i64, tpu.core_type = #tpu.core_type<sc_vector_subcore>, window_params = [{transform_indices = #map}, {transform_indices = #map1}, {transform_indices = #map}, {transform_indices = #map}]} {
    %mul3A = arith.constant 2 : i32
    %mul3A_0 = arith.muli %arg1, %mul3A : i32
    %add3A = arith.addi %mul3A_0, %arg0 : i32
    %mul3A_1 = arith.constant 32 : i32
    %mul3A_2 = arith.muli %add3A, %mul3A_1 : i32
    "tpu.region"() ({
      %run_scoped3A = tpu.sem_alloc : memref<!tpu.dma_semaphore, #tpu.memory_space<semaphore_mem>>
      %dma_start3A_680 = tpu.memref_slice %arg3[%mul3A_2] : memref<1024xi32, #tpu.memory_space<hbm>> -> memref<32xi32, #tpu.memory_space<hbm>>
      %dma_start3A_681 = tpu.memref_slice %arg3[%mul3A_2] : memref<1024xi32, #tpu.memory_space<hbm>> -> memref<32xi32, #tpu.memory_space<hbm>>
      tpu.enqueue_dma source(%dma_start3A_681 : memref<32xi32, #tpu.memory_space<hbm>>) target(%arg6 : memref<32xi32, #tpu.memory_space<vmem>>) target_semaphore(%run_scoped3A : memref<!tpu.dma_semaphore, #tpu.memory_space<semaphore_mem>>)
      %dma_wait3A_682 = tpu.memref_slice %arg3[%mul3A_2] : memref<1024xi32, #tpu.memory_space<hbm>> -> memref<32xi32, #tpu.memory_space<hbm>>
      %dma_wait3A_683 = tpu.memref_slice %arg3[%mul3A_2] : memref<1024xi32, #tpu.memory_space<hbm>> -> memref<32xi32, #tpu.memory_space<hbm>>
      tpu.wait_dma2 semaphore(%run_scoped3A : memref<!tpu.dma_semaphore, #tpu.memory_space<semaphore_mem>>) src(%dma_wait3A_683 : memref<32xi32, #tpu.memory_space<hbm>>) dst(%arg6 : memref<32xi32, #tpu.memory_space<vmem>>)
      tpu.yield
    }) : () -> ()
    %get3A = arith.constant 0 : index
    %get3A_3 = tpu.vector_load %arg6[%get3A] {strides = array<i32>} : memref<32xi32, #tpu.memory_space<vmem>>, vector<16xi32>,
    %shift_right_arithmetic3A = arith.constant 2 : i32
    %shift_right_arithmetic3A_4 = vector.broadcast %shift_right_arithmetic3A : i32 to vector<16xi32>
    %shift_right_arithmetic3A_5 = arith.shrsi %get3A_3, %shift_right_arithmetic3A_4 : vector<16xi32>
    %swap3A = arith.constant 0 : index
    %swap3A_6 = tpu.vector_load %arg7[%swap3A] {strides = array<i32>} : memref<32xi32, #tpu.memory_space<vmem>>, vector<16xi32>,
    tpu.vector_store %arg7[%swap3A], %shift_right_arithmetic3A_5 {strides = array<i32>} : memref<32xi32, #tpu.memory_space<vmem>>, vector<16xi32>,
    %get3A_7 = arith.constant 16 : index
    %get3A_8 = tpu.vector_load %arg6[%get3A_7] {strides = array<i32>} : memref<32xi32, #tpu.memory_space<vmem>>, vector<16xi32>,
    %shift_right_arithmetic3A_9 = arith.constant 2 : i32
    %shift_right_arithmetic3A_10 = vector.broadcast %shift_right_arithmetic3A_9 : i32 to vector<16xi32>
    %shift_right_arithmetic3A_11 = arith.shrsi %get3A_8, %shift_right_arithmetic3A_10 : vector<16xi32>
    %swap3A_12 = arith.constant 16 : index
    %swap3A_13 = tpu.vector_load %arg7[%swap3A_12] {strides = array<i32>} : memref<32xi32, #tpu.memory_space<vmem>>, vector<16xi32>,
    tpu.vector_store %arg7[%swap3A_12], %shift_right_arithmetic3A_11 {strides = array<i32>} : memref<32xi32, #tpu.memory_space<vmem>>, vector<16xi32>,
    %dma_start3A = arith.constant 0 : i32
    %dma_start3A_14 = arith.constant 0 : i32
    %dma_start3A_15 = tpu.memref_slice %arg2[%dma_start3A, %dma_start3A_14] : memref<25000x128xf32, #tpu.memory_space<hbm>> -> memref<25000x128xf32, #tpu.memory_space<hbm>>
    tpu.enqueue_indirect_dma source(%dma_start3A_15 : memref<25000x128xf32, #tpu.memory_space<hbm>>) target(%arg8 : memref<32x128xf32, #tpu.memory_space<vmem>>) offsets(%arg7 : memref<32xi32, #tpu.memory_space<vmem>>) semaphore(%arg11 : memref<!tpu.dma_semaphore, #tpu.memory_space<semaphore_mem>>)
    %dma_wait3A = arith.constant 0 : i32
    %dma_wait3A_16 = arith.constant 0 : i32
    %dma_wait3A_17 = tpu.memref_slice %arg2[%dma_wait3A, %dma_wait3A_16] : memref<25000x128xf32, #tpu.memory_space<hbm>> -> memref<25000x128xf32, #tpu.memory_space<hbm>>
    tpu.wait_indirect_dma semaphore(%arg11 : memref<!tpu.dma_semaphore, #tpu.memory_space<semaphore_mem>>) src(%dma_wait3A_17 : memref<25000x128xf32, #tpu.memory_space<hbm>>) dst(%arg8 : memref<32x128xf32, #tpu.memory_space<vmem>>)
    "tpu.region"() ({
      %run_scoped3A = tpu.sem_alloc : memref<!tpu.dma_semaphore, #tpu.memory_space<semaphore_mem>>
      %dma_start3A_680 = arith.constant 0 : i32
      %dma_start3A_681 = tpu.memref_slice %arg4[%mul3A_2, %dma_start3A_680] : memref<1024x32xf32, #tpu.memory_space<hbm>> -> memref<32x32xf32, #tpu.memory_space<hbm>>
      %dma_start3A_682 = arith.constant 0 : i32
      %dma_start3A_683 = tpu.memref_slice %arg4[%mul3A_2, %dma_start3A_682] : memref<1024x32xf32, #tpu.memory_space<hbm>> -> memref<32x32xf32, #tpu.memory_space<hbm>>
      tpu.enqueue_dma source(%dma_start3A_683 : memref<32x32xf32, #tpu.memory_space<hbm>>) target(%arg9 : memref<32x32xf32, #tpu.memory_space<vmem>>) target_semaphore(%run_scoped3A : memref<!tpu.dma_semaphore, #tpu.memory_space<semaphore_mem>>)
      %dma_wait3A_684 = arith.constant 0 : i32
      %dma_wait3A_685 = tpu.memref_slice %arg4[%mul3A_2, %dma_wait3A_684] : memref<1024x32xf32, #tpu.memory_space<hbm>> -> memref<32x32xf32, #tpu.memory_space<hbm>>
      %dma_wait3A_686 = arith.constant 0 : i32
      %dma_wait3A_687 = tpu.memref_slice %arg4[%mul3A_2, %dma_wait3A_686] : memref<1024x32xf32, #tpu.memory_space<hbm>> -> memref<32x32xf32, #tpu.memory_space<hbm>>
      tpu.wait_dma2 semaphore(%run_scoped3A : memref<!tpu.dma_semaphore, #tpu.memory_space<semaphore_mem>>) src(%dma_wait3A_687 : memref<32x32xf32, #tpu.memory_space<hbm>>) dst(%arg9 : memref<32x32xf32, #tpu.memory_space<vmem>>)
      tpu.yield
    }) : () -> ()
    %iota3A = tpu.iota {dimensions = array<i32: 0>} : vector<16xi32>
    %broadcast_in_dim3A = arith.constant 0.000000e+00 : f32
    %broadcast_in_dim3A_18 = vector.broadcast %broadcast_in_dim3A : f32 to vector<16xf32>
    %get3A_19 = arith.constant 0 : index
    %get3A_20 = tpu.vector_load %arg6[%get3A_19] {strides = array<i32>} : memref<32xi32, #tpu.memory_space<vmem>>, vector<16xi32>,
    %and3A = arith.constant 3 : i32
    %and3A_21 = vector.broadcast %and3A : i32 to vector<16xi32>
    %and3A_22 = arith.andi %get3A_20, %and3A_21 : vector<16xi32>
    %mul3A_23 = arith.constant 32 : i32
    %mul3A_24 = vector.broadcast %mul3A_23 : i32 to vector<16xi32>
    %mul3A_25 = arith.muli %and3A_22, %mul3A_24 : vector<16xi32>
    %add3A_26 = arith.constant 0 : i32
    %add3A_27 = vector.broadcast %add3A_26 : i32 to vector<16xi32>
    %add3A_28 = arith.addi %iota3A, %add3A_27 : vector<16xi32>
    %add3A_29 = arith.constant 0 : i32
    %add3A_30 = vector.broadcast %add3A_29 : i32 to vector<16xi32>
    %add3A_31 = arith.addi %mul3A_25, %add3A_30 : vector<16xi32>
    %gather3A = tpu.vector_load_idx %arg8[%add3A_28, %add3A_31] : memref<32x128xf32, #tpu.memory_space<vmem>>[vector<16xi32>, vector<16xi32>], vector<16xf32>,
    %broadcast_in_dim3A_32 = arith.constant 0 : i32
    %broadcast_in_dim3A_33 = vector.broadcast %broadcast_in_dim3A_32 : i32 to vector<16xi32>
    %gather3A_34 = tpu.vector_load_idx %arg9[%add3A_28, %broadcast_in_dim3A_33] : memref<32x32xf32, #tpu.memory_space<vmem>>[vector<16xi32>, vector<16xi32>], vector<16xf32>,
    %sub3A = arith.subf %gather3A_34, %gather3A : vector<16xf32>
    %mul3A_35 = arith.mulf %sub3A, %sub3A : vector<16xf32>
    %add3A_36 = arith.addf %broadcast_in_dim3A_18, %mul3A_35 : vector<16xf32>
    %add3A_37 = arith.constant 1 : i32
    %add3A_38 = vector.broadcast %add3A_37 : i32 to vector<16xi32>
    %add3A_39 = arith.addi %mul3A_25, %add3A_38 : vector<16xi32>
    %gather3A_40 = tpu.vector_load_idx %arg8[%add3A_28, %add3A_39] : memref<32x128xf32, #tpu.memory_space<vmem>>[vector<16xi32>, vector<16xi32>], vector<16xf32>,
    %broadcast_in_dim3A_41 = arith.constant 1 : i32
    %broadcast_in_dim3A_42 = vector.broadcast %broadcast_in_dim3A_41 : i32 to vector<16xi32>
    %gather3A_43 = tpu.vector_load_idx %arg9[%add3A_28, %broadcast_in_dim3A_42] : memref<32x32xf32, #tpu.memory_space<vmem>>[vector<16xi32>, vector<16xi32>], vector<16xf32>,
    %sub3A_44 = arith.subf %gather3A_43, %gather3A_40 : vector<16xf32>
    %mul3A_45 = arith.mulf %sub3A_44, %sub3A_44 : vector<16xf32>
    %add3A_46 = arith.addf %add3A_36, %mul3A_45 : vector<16xf32>
    %add3A_47 = arith.constant 2 : i32
    %add3A_48 = vector.broadcast %add3A_47 : i32 to vector<16xi32>
    %add3A_49 = arith.addi %mul3A_25, %add3A_48 : vector<16xi32>
    %gather3A_50 = tpu.vector_load_idx %arg8[%add3A_28, %add3A_49] : memref<32x128xf32, #tpu.memory_space<vmem>>[vector<16xi32>, vector<16xi32>], vector<16xf32>,
    %broadcast_in_dim3A_51 = arith.constant 2 : i32
    %broadcast_in_dim3A_52 = vector.broadcast %broadcast_in_dim3A_51 : i32 to vector<16xi32>
    %gather3A_53 = tpu.vector_load_idx %arg9[%add3A_28, %broadcast_in_dim3A_52] : memref<32x32xf32, #tpu.memory_space<vmem>>[vector<16xi32>, vector<16xi32>], vector<16xf32>,
    %sub3A_54 = arith.subf %gather3A_53, %gather3A_50 : vector<16xf32>
    %mul3A_55 = arith.mulf %sub3A_54, %sub3A_54 : vector<16xf32>
    %add3A_56 = arith.addf %add3A_46, %mul3A_55 : vector<16xf32>
    %add3A_57 = arith.constant 3 : i32
    %add3A_58 = vector.broadcast %add3A_57 : i32 to vector<16xi32>
    %add3A_59 = arith.addi %mul3A_25, %add3A_58 : vector<16xi32>
    %gather3A_60 = tpu.vector_load_idx %arg8[%add3A_28, %add3A_59] : memref<32x128xf32, #tpu.memory_space<vmem>>[vector<16xi32>, vector<16xi32>], vector<16xf32>,
    %broadcast_in_dim3A_61 = arith.constant 3 : i32
    %broadcast_in_dim3A_62 = vector.broadcast %broadcast_in_dim3A_61 : i32 to vector<16xi32>
    %gather3A_63 = tpu.vector_load_idx %arg9[%add3A_28, %broadcast_in_dim3A_62] : memref<32x32xf32, #tpu.memory_space<vmem>>[vector<16xi32>, vector<16xi32>], vector<16xf32>,
    %sub3A_64 = arith.subf %gather3A_63, %gather3A_60 : vector<16xf32>
    %mul3A_65 = arith.mulf %sub3A_64, %sub3A_64 : vector<16xf32>
    %add3A_66 = arith.addf %add3A_56, %mul3A_65 : vector<16xf32>
    %add3A_67 = arith.constant 4 : i32
    %add3A_68 = vector.broadcast %add3A_67 : i32 to vector<16xi32>
    %add3A_69 = arith.addi %mul3A_25, %add3A_68 : vector<16xi32>
    %gather3A_70 = tpu.vector_load_idx %arg8[%add3A_28, %add3A_69] : memref<32x128xf32, #tpu.memory_space<vmem>>[vector<16xi32>, vector<16xi32>], vector<16xf32>,
    %broadcast_in_dim3A_71 = arith.constant 4 : i32
    %broadcast_in_dim3A_72 = vector.broadcast %broadcast_in_dim3A_71 : i32 to vector<16xi32>
    %gather3A_73 = tpu.vector_load_idx %arg9[%add3A_28, %broadcast_in_dim3A_72] : memref<32x32xf32, #tpu.memory_space<vmem>>[vector<16xi32>, vector<16xi32>], vector<16xf32>,
    %sub3A_74 = arith.subf %gather3A_73, %gather3A_70 : vector<16xf32>
    %mul3A_75 = arith.mulf %sub3A_74, %sub3A_74 : vector<16xf32>
    %add3A_76 = arith.addf %add3A_66, %mul3A_75 : vector<16xf32>
    %add3A_77 = arith.constant 5 : i32
    %add3A_78 = vector.broadcast %add3A_77 : i32 to vector<16xi32>
    %add3A_79 = arith.addi %mul3A_25, %add3A_78 : vector<16xi32>
    %gather3A_80 = tpu.vector_load_idx %arg8[%add3A_28, %add3A_79] : memref<32x128xf32, #tpu.memory_space<vmem>>[vector<16xi32>, vector<16xi32>], vector<16xf32>,
    %broadcast_in_dim3A_81 = arith.constant 5 : i32
    %broadcast_in_dim3A_82 = vector.broadcast %broadcast_in_dim3A_81 : i32 to vector<16xi32>
    %gather3A_83 = tpu.vector_load_idx %arg9[%add3A_28, %broadcast_in_dim3A_82] : memref<32x32xf32, #tpu.memory_space<vmem>>[vector<16xi32>, vector<16xi32>], vector<16xf32>,
    %sub3A_84 = arith.subf %gather3A_83, %gather3A_80 : vector<16xf32>
    %mul3A_85 = arith.mulf %sub3A_84, %sub3A_84 : vector<16xf32>
    %add3A_86 = arith.addf %add3A_76, %mul3A_85 : vector<16xf32>
    %add3A_87 = arith.constant 6 : i32
    %add3A_88 = vector.broadcast %add3A_87 : i32 to vector<16xi32>
    %add3A_89 = arith.addi %mul3A_25, %add3A_88 : vector<16xi32>
    %gather3A_90 = tpu.vector_load_idx %arg8[%add3A_28, %add3A_89] : memref<32x128xf32, #tpu.memory_space<vmem>>[vector<16xi32>, vector<16xi32>], vector<16xf32>,
    %broadcast_in_dim3A_91 = arith.constant 6 : i32
    %broadcast_in_dim3A_92 = vector.broadcast %broadcast_in_dim3A_91 : i32 to vector<16xi32>
    %gather3A_93 = tpu.vector_load_idx %arg9[%add3A_28, %broadcast_in_dim3A_92] : memref<32x32xf32, #tpu.memory_space<vmem>>[vector<16xi32>, vector<16xi32>], vector<16xf32>,
    %sub3A_94 = arith.subf %gather3A_93, %gather3A_90 : vector<16xf32>
    %mul3A_95 = arith.mulf %sub3A_94, %sub3A_94 : vector<16xf32>
    %add3A_96 = arith.addf %add3A_86, %mul3A_95 : vector<16xf32>
    %add3A_97 = arith.constant 7 : i32
    %add3A_98 = vector.broadcast %add3A_97 : i32 to vector<16xi32>
    %add3A_99 = arith.addi %mul3A_25, %add3A_98 : vector<16xi32>
    %gather3A_100 = tpu.vector_load_idx %arg8[%add3A_28, %add3A_99] : memref<32x128xf32, #tpu.memory_space<vmem>>[vector<16xi32>, vector<16xi32>], vector<16xf32>,
    %broadcast_in_dim3A_101 = arith.constant 7 : i32
    %broadcast_in_dim3A_102 = vector.broadcast %broadcast_in_dim3A_101 : i32 to vector<16xi32>
    %gather3A_103 = tpu.vector_load_idx %arg9[%add3A_28, %broadcast_in_dim3A_102] : memref<32x32xf32, #tpu.memory_space<vmem>>[vector<16xi32>, vector<16xi32>], vector<16xf32>,
    %sub3A_104 = arith.subf %gather3A_103, %gather3A_100 : vector<16xf32>
    %mul3A_105 = arith.mulf %sub3A_104, %sub3A_104 : vector<16xf32>
    %add3A_106 = arith.addf %add3A_96, %mul3A_105 : vector<16xf32>
    %add3A_107 = arith.constant 8 : i32
    %add3A_108 = vector.broadcast %add3A_107 : i32 to vector<16xi32>
    %add3A_109 = arith.addi %mul3A_25, %add3A_108 : vector<16xi32>
    %gather3A_110 = tpu.vector_load_idx %arg8[%add3A_28, %add3A_109] : memref<32x128xf32, #tpu.memory_space<vmem>>[vector<16xi32>, vector<16xi32>], vector<16xf32>,
    %broadcast_in_dim3A_111 = arith.constant 8 : i32
    %broadcast_in_dim3A_112 = vector.broadcast %broadcast_in_dim3A_111 : i32 to vector<16xi32>
    %gather3A_113 = tpu.vector_load_idx %arg9[%add3A_28, %broadcast_in_dim3A_112] : memref<32x32xf32, #tpu.memory_space<vmem>>[vector<16xi32>, vector<16xi32>], vector<16xf32>,
    %sub3A_114 = arith.subf %gather3A_113, %gather3A_110 : vector<16xf32>
    %mul3A_115 = arith.mulf %sub3A_114, %sub3A_114 : vector<16xf32>
    %add3A_116 = arith.addf %add3A_106, %mul3A_115 : vector<16xf32>
    %add3A_117 = arith.constant 9 : i32
    %add3A_118 = vector.broadcast %add3A_117 : i32 to vector<16xi32>
    %add3A_119 = arith.addi %mul3A_25, %add3A_118 : vector<16xi32>
    %gather3A_120 = tpu.vector_load_idx %arg8[%add3A_28, %add3A_119] : memref<32x128xf32, #tpu.memory_space<vmem>>[vector<16xi32>, vector<16xi32>], vector<16xf32>,
    %broadcast_in_dim3A_121 = arith.constant 9 : i32
    %broadcast_in_dim3A_122 = vector.broadcast %broadcast_in_dim3A_121 : i32 to vector<16xi32>
    %gather3A_123 = tpu.vector_load_idx %arg9[%add3A_28, %broadcast_in_dim3A_122] : memref<32x32xf32, #tpu.memory_space<vmem>>[vector<16xi32>, vector<16xi32>], vector<16xf32>,
    %sub3A_124 = arith.subf %gather3A_123, %gather3A_120 : vector<16xf32>
    %mul3A_125 = arith.mulf %sub3A_124, %sub3A_124 : vector<16xf32>
    %add3A_126 = arith.addf %add3A_116, %mul3A_125 : vector<16xf32>
    %add3A_127 = arith.constant 10 : i32
    %add3A_128 = vector.broadcast %add3A_127 : i32 to vector<16xi32>
    %add3A_129 = arith.addi %mul3A_25, %add3A_128 : vector<16xi32>
    %gather3A_130 = tpu.vector_load_idx %arg8[%add3A_28, %add3A_129] : memref<32x128xf32, #tpu.memory_space<vmem>>[vector<16xi32>, vector<16xi32>], vector<16xf32>,
    %broadcast_in_dim3A_131 = arith.constant 10 : i32
    %broadcast_in_dim3A_132 = vector.broadcast %broadcast_in_dim3A_131 : i32 to vector<16xi32>
    %gather3A_133 = tpu.vector_load_idx %arg9[%add3A_28, %broadcast_in_dim3A_132] : memref<32x32xf32, #tpu.memory_space<vmem>>[vector<16xi32>, vector<16xi32>], vector<16xf32>,
    %sub3A_134 = arith.subf %gather3A_133, %gather3A_130 : vector<16xf32>
    %mul3A_135 = arith.mulf %sub3A_134, %sub3A_134 : vector<16xf32>
    %add3A_136 = arith.addf %add3A_126, %mul3A_135 : vector<16xf32>
    %add3A_137 = arith.constant 11 : i32
    %add3A_138 = vector.broadcast %add3A_137 : i32 to vector<16xi32>
    %add3A_139 = arith.addi %mul3A_25, %add3A_138 : vector<16xi32>
    %gather3A_140 = tpu.vector_load_idx %arg8[%add3A_28, %add3A_139] : memref<32x128xf32, #tpu.memory_space<vmem>>[vector<16xi32>, vector<16xi32>], vector<16xf32>,
    %broadcast_in_dim3A_141 = arith.constant 11 : i32
    %broadcast_in_dim3A_142 = vector.broadcast %broadcast_in_dim3A_141 : i32 to vector<16xi32>
    %gather3A_143 = tpu.vector_load_idx %arg9[%add3A_28, %broadcast_in_dim3A_142] : memref<32x32xf32, #tpu.memory_space<vmem>>[vector<16xi32>, vector<16xi32>], vector<16xf32>,
    %sub3A_144 = arith.subf %gather3A_143, %gather3A_140 : vector<16xf32>
    %mul3A_145 = arith.mulf %sub3A_144, %sub3A_144 : vector<16xf32>
    %add3A_146 = arith.addf %add3A_136, %mul3A_145 : vector<16xf32>
    %add3A_147 = arith.constant 12 : i32
    %add3A_148 = vector.broadcast %add3A_147 : i32 to vector<16xi32>
    %add3A_149 = arith.addi %mul3A_25, %add3A_148 : vector<16xi32>
    %gather3A_150 = tpu.vector_load_idx %arg8[%add3A_28, %add3A_149] : memref<32x128xf32, #tpu.memory_space<vmem>>[vector<16xi32>, vector<16xi32>], vector<16xf32>,
    %broadcast_in_dim3A_151 = arith.constant 12 : i32
    %broadcast_in_dim3A_152 = vector.broadcast %broadcast_in_dim3A_151 : i32 to vector<16xi32>
    %gather3A_153 = tpu.vector_load_idx %arg9[%add3A_28, %broadcast_in_dim3A_152] : memref<32x32xf32, #tpu.memory_space<vmem>>[vector<16xi32>, vector<16xi32>], vector<16xf32>,
    %sub3A_154 = arith.subf %gather3A_153, %gather3A_150 : vector<16xf32>
    %mul3A_155 = arith.mulf %sub3A_154, %sub3A_154 : vector<16xf32>
    %add3A_156 = arith.addf %add3A_146, %mul3A_155 : vector<16xf32>
    %add3A_157 = arith.constant 13 : i32
    %add3A_158 = vector.broadcast %add3A_157 : i32 to vector<16xi32>
    %add3A_159 = arith.addi %mul3A_25, %add3A_158 : vector<16xi32>
    %gather3A_160 = tpu.vector_load_idx %arg8[%add3A_28, %add3A_159] : memref<32x128xf32, #tpu.memory_space<vmem>>[vector<16xi32>, vector<16xi32>], vector<16xf32>,
    %broadcast_in_dim3A_161 = arith.constant 13 : i32
    %broadcast_in_dim3A_162 = vector.broadcast %broadcast_in_dim3A_161 : i32 to vector<16xi32>
    %gather3A_163 = tpu.vector_load_idx %arg9[%add3A_28, %broadcast_in_dim3A_162] : memref<32x32xf32, #tpu.memory_space<vmem>>[vector<16xi32>, vector<16xi32>], vector<16xf32>,
    %sub3A_164 = arith.subf %gather3A_163, %gather3A_160 : vector<16xf32>
    %mul3A_165 = arith.mulf %sub3A_164, %sub3A_164 : vector<16xf32>
    %add3A_166 = arith.addf %add3A_156, %mul3A_165 : vector<16xf32>
    %add3A_167 = arith.constant 14 : i32
    %add3A_168 = vector.broadcast %add3A_167 : i32 to vector<16xi32>
    %add3A_169 = arith.addi %mul3A_25, %add3A_168 : vector<16xi32>
    %gather3A_170 = tpu.vector_load_idx %arg8[%add3A_28, %add3A_169] : memref<32x128xf32, #tpu.memory_space<vmem>>[vector<16xi32>, vector<16xi32>], vector<16xf32>,
    %broadcast_in_dim3A_171 = arith.constant 14 : i32
    %broadcast_in_dim3A_172 = vector.broadcast %broadcast_in_dim3A_171 : i32 to vector<16xi32>
    %gather3A_173 = tpu.vector_load_idx %arg9[%add3A_28, %broadcast_in_dim3A_172] : memref<32x32xf32, #tpu.memory_space<vmem>>[vector<16xi32>, vector<16xi32>], vector<16xf32>,
    %sub3A_174 = arith.subf %gather3A_173, %gather3A_170 : vector<16xf32>
    %mul3A_175 = arith.mulf %sub3A_174, %sub3A_174 : vector<16xf32>
    %add3A_176 = arith.addf %add3A_166, %mul3A_175 : vector<16xf32>
    %add3A_177 = arith.constant 15 : i32
    %add3A_178 = vector.broadcast %add3A_177 : i32 to vector<16xi32>
    %add3A_179 = arith.addi %mul3A_25, %add3A_178 : vector<16xi32>
    %gather3A_180 = tpu.vector_load_idx %arg8[%add3A_28, %add3A_179] : memref<32x128xf32, #tpu.memory_space<vmem>>[vector<16xi32>, vector<16xi32>], vector<16xf32>,
    %broadcast_in_dim3A_181 = arith.constant 15 : i32
    %broadcast_in_dim3A_182 = vector.broadcast %broadcast_in_dim3A_181 : i32 to vector<16xi32>
    %gather3A_183 = tpu.vector_load_idx %arg9[%add3A_28, %broadcast_in_dim3A_182] : memref<32x32xf32, #tpu.memory_space<vmem>>[vector<16xi32>, vector<16xi32>], vector<16xf32>,
    %sub3A_184 = arith.subf %gather3A_183, %gather3A_180 : vector<16xf32>
    %mul3A_185 = arith.mulf %sub3A_184, %sub3A_184 : vector<16xf32>
    %add3A_186 = arith.addf %add3A_176, %mul3A_185 : vector<16xf32>
    %add3A_187 = arith.constant 16 : i32
    %add3A_188 = vector.broadcast %add3A_187 : i32 to vector<16xi32>
    %add3A_189 = arith.addi %mul3A_25, %add3A_188 : vector<16xi32>
    %gather3A_190 = tpu.vector_load_idx %arg8[%add3A_28, %add3A_189] : memref<32x128xf32, #tpu.memory_space<vmem>>[vector<16xi32>, vector<16xi32>], vector<16xf32>,
    %broadcast_in_dim3A_191 = arith.constant 16 : i32
    %broadcast_in_dim3A_192 = vector.broadcast %broadcast_in_dim3A_191 : i32 to vector<16xi32>
    %gather3A_193 = tpu.vector_load_idx %arg9[%add3A_28, %broadcast_in_dim3A_192] : memref<32x32xf32, #tpu.memory_space<vmem>>[vector<16xi32>, vector<16xi32>], vector<16xf32>,
    %sub3A_194 = arith.subf %gather3A_193, %gather3A_190 : vector<16xf32>
    %mul3A_195 = arith.mulf %sub3A_194, %sub3A_194 : vector<16xf32>
    %add3A_196 = arith.addf %add3A_186, %mul3A_195 : vector<16xf32>
    %add3A_197 = arith.constant 17 : i32
    %add3A_198 = vector.broadcast %add3A_197 : i32 to vector<16xi32>
    %add3A_199 = arith.addi %mul3A_25, %add3A_198 : vector<16xi32>
    %gather3A_200 = tpu.vector_load_idx %arg8[%add3A_28, %add3A_199] : memref<32x128xf32, #tpu.memory_space<vmem>>[vector<16xi32>, vector<16xi32>], vector<16xf32>,
    %broadcast_in_dim3A_201 = arith.constant 17 : i32
    %broadcast_in_dim3A_202 = vector.broadcast %broadcast_in_dim3A_201 : i32 to vector<16xi32>
    %gather3A_203 = tpu.vector_load_idx %arg9[%add3A_28, %broadcast_in_dim3A_202] : memref<32x32xf32, #tpu.memory_space<vmem>>[vector<16xi32>, vector<16xi32>], vector<16xf32>,
    %sub3A_204 = arith.subf %gather3A_203, %gather3A_200 : vector<16xf32>
    %mul3A_205 = arith.mulf %sub3A_204, %sub3A_204 : vector<16xf32>
    %add3A_206 = arith.addf %add3A_196, %mul3A_205 : vector<16xf32>
    %add3A_207 = arith.constant 18 : i32
    %add3A_208 = vector.broadcast %add3A_207 : i32 to vector<16xi32>
    %add3A_209 = arith.addi %mul3A_25, %add3A_208 : vector<16xi32>
    %gather3A_210 = tpu.vector_load_idx %arg8[%add3A_28, %add3A_209] : memref<32x128xf32, #tpu.memory_space<vmem>>[vector<16xi32>, vector<16xi32>], vector<16xf32>,
    %broadcast_in_dim3A_211 = arith.constant 18 : i32
    %broadcast_in_dim3A_212 = vector.broadcast %broadcast_in_dim3A_211 : i32 to vector<16xi32>
    %gather3A_213 = tpu.vector_load_idx %arg9[%add3A_28, %broadcast_in_dim3A_212] : memref<32x32xf32, #tpu.memory_space<vmem>>[vector<16xi32>, vector<16xi32>], vector<16xf32>,
    %sub3A_214 = arith.subf %gather3A_213, %gather3A_210 : vector<16xf32>
    %mul3A_215 = arith.mulf %sub3A_214, %sub3A_214 : vector<16xf32>
    %add3A_216 = arith.addf %add3A_206, %mul3A_215 : vector<16xf32>
    %add3A_217 = arith.constant 19 : i32
    %add3A_218 = vector.broadcast %add3A_217 : i32 to vector<16xi32>
    %add3A_219 = arith.addi %mul3A_25, %add3A_218 : vector<16xi32>
    %gather3A_220 = tpu.vector_load_idx %arg8[%add3A_28, %add3A_219] : memref<32x128xf32, #tpu.memory_space<vmem>>[vector<16xi32>, vector<16xi32>], vector<16xf32>,
    %broadcast_in_dim3A_221 = arith.constant 19 : i32
    %broadcast_in_dim3A_222 = vector.broadcast %broadcast_in_dim3A_221 : i32 to vector<16xi32>
    %gather3A_223 = tpu.vector_load_idx %arg9[%add3A_28, %broadcast_in_dim3A_222] : memref<32x32xf32, #tpu.memory_space<vmem>>[vector<16xi32>, vector<16xi32>], vector<16xf32>,
    %sub3A_224 = arith.subf %gather3A_223, %gather3A_220 : vector<16xf32>
    %mul3A_225 = arith.mulf %sub3A_224, %sub3A_224 : vector<16xf32>
    %add3A_226 = arith.addf %add3A_216, %mul3A_225 : vector<16xf32>
    %add3A_227 = arith.constant 20 : i32
    %add3A_228 = vector.broadcast %add3A_227 : i32 to vector<16xi32>
    %add3A_229 = arith.addi %mul3A_25, %add3A_228 : vector<16xi32>
    %gather3A_230 = tpu.vector_load_idx %arg8[%add3A_28, %add3A_229] : memref<32x128xf32, #tpu.memory_space<vmem>>[vector<16xi32>, vector<16xi32>], vector<16xf32>,
    %broadcast_in_dim3A_231 = arith.constant 20 : i32
    %broadcast_in_dim3A_232 = vector.broadcast %broadcast_in_dim3A_231 : i32 to vector<16xi32>
    %gather3A_233 = tpu.vector_load_idx %arg9[%add3A_28, %broadcast_in_dim3A_232] : memref<32x32xf32, #tpu.memory_space<vmem>>[vector<16xi32>, vector<16xi32>], vector<16xf32>,
    %sub3A_234 = arith.subf %gather3A_233, %gather3A_230 : vector<16xf32>
    %mul3A_235 = arith.mulf %sub3A_234, %sub3A_234 : vector<16xf32>
    %add3A_236 = arith.addf %add3A_226, %mul3A_235 : vector<16xf32>
    %add3A_237 = arith.constant 21 : i32
    %add3A_238 = vector.broadcast %add3A_237 : i32 to vector<16xi32>
    %add3A_239 = arith.addi %mul3A_25, %add3A_238 : vector<16xi32>
    %gather3A_240 = tpu.vector_load_idx %arg8[%add3A_28, %add3A_239] : memref<32x128xf32, #tpu.memory_space<vmem>>[vector<16xi32>, vector<16xi32>], vector<16xf32>,
    %broadcast_in_dim3A_241 = arith.constant 21 : i32
    %broadcast_in_dim3A_242 = vector.broadcast %broadcast_in_dim3A_241 : i32 to vector<16xi32>
    %gather3A_243 = tpu.vector_load_idx %arg9[%add3A_28, %broadcast_in_dim3A_242] : memref<32x32xf32, #tpu.memory_space<vmem>>[vector<16xi32>, vector<16xi32>], vector<16xf32>,
    %sub3A_244 = arith.subf %gather3A_243, %gather3A_240 : vector<16xf32>
    %mul3A_245 = arith.mulf %sub3A_244, %sub3A_244 : vector<16xf32>
    %add3A_246 = arith.addf %add3A_236, %mul3A_245 : vector<16xf32>
    %add3A_247 = arith.constant 22 : i32
    %add3A_248 = vector.broadcast %add3A_247 : i32 to vector<16xi32>
    %add3A_249 = arith.addi %mul3A_25, %add3A_248 : vector<16xi32>
    %gather3A_250 = tpu.vector_load_idx %arg8[%add3A_28, %add3A_249] : memref<32x128xf32, #tpu.memory_space<vmem>>[vector<16xi32>, vector<16xi32>], vector<16xf32>,
    %broadcast_in_dim3A_251 = arith.constant 22 : i32
    %broadcast_in_dim3A_252 = vector.broadcast %broadcast_in_dim3A_251 : i32 to vector<16xi32>
    %gather3A_253 = tpu.vector_load_idx %arg9[%add3A_28, %broadcast_in_dim3A_252] : memref<32x32xf32, #tpu.memory_space<vmem>>[vector<16xi32>, vector<16xi32>], vector<16xf32>,
    %sub3A_254 = arith.subf %gather3A_253, %gather3A_250 : vector<16xf32>
    %mul3A_255 = arith.mulf %sub3A_254, %sub3A_254 : vector<16xf32>
    %add3A_256 = arith.addf %add3A_246, %mul3A_255 : vector<16xf32>
    %add3A_257 = arith.constant 23 : i32
    %add3A_258 = vector.broadcast %add3A_257 : i32 to vector<16xi32>
    %add3A_259 = arith.addi %mul3A_25, %add3A_258 : vector<16xi32>
    %gather3A_260 = tpu.vector_load_idx %arg8[%add3A_28, %add3A_259] : memref<32x128xf32, #tpu.memory_space<vmem>>[vector<16xi32>, vector<16xi32>], vector<16xf32>,
    %broadcast_in_dim3A_261 = arith.constant 23 : i32
    %broadcast_in_dim3A_262 = vector.broadcast %broadcast_in_dim3A_261 : i32 to vector<16xi32>
    %gather3A_263 = tpu.vector_load_idx %arg9[%add3A_28, %broadcast_in_dim3A_262] : memref<32x32xf32, #tpu.memory_space<vmem>>[vector<16xi32>, vector<16xi32>], vector<16xf32>,
    %sub3A_264 = arith.subf %gather3A_263, %gather3A_260 : vector<16xf32>
    %mul3A_265 = arith.mulf %sub3A_264, %sub3A_264 : vector<16xf32>
    %add3A_266 = arith.addf %add3A_256, %mul3A_265 : vector<16xf32>
    %add3A_267 = arith.constant 24 : i32
    %add3A_268 = vector.broadcast %add3A_267 : i32 to vector<16xi32>
    %add3A_269 = arith.addi %mul3A_25, %add3A_268 : vector<16xi32>
    %gather3A_270 = tpu.vector_load_idx %arg8[%add3A_28, %add3A_269] : memref<32x128xf32, #tpu.memory_space<vmem>>[vector<16xi32>, vector<16xi32>], vector<16xf32>,
    %broadcast_in_dim3A_271 = arith.constant 24 : i32
    %broadcast_in_dim3A_272 = vector.broadcast %broadcast_in_dim3A_271 : i32 to vector<16xi32>
    %gather3A_273 = tpu.vector_load_idx %arg9[%add3A_28, %broadcast_in_dim3A_272] : memref<32x32xf32, #tpu.memory_space<vmem>>[vector<16xi32>, vector<16xi32>], vector<16xf32>,
    %sub3A_274 = arith.subf %gather3A_273, %gather3A_270 : vector<16xf32>
    %mul3A_275 = arith.mulf %sub3A_274, %sub3A_274 : vector<16xf32>
    %add3A_276 = arith.addf %add3A_266, %mul3A_275 : vector<16xf32>
    %add3A_277 = arith.constant 25 : i32
    %add3A_278 = vector.broadcast %add3A_277 : i32 to vector<16xi32>
    %add3A_279 = arith.addi %mul3A_25, %add3A_278 : vector<16xi32>
    %gather3A_280 = tpu.vector_load_idx %arg8[%add3A_28, %add3A_279] : memref<32x128xf32, #tpu.memory_space<vmem>>[vector<16xi32>, vector<16xi32>], vector<16xf32>,
    %broadcast_in_dim3A_281 = arith.constant 25 : i32
    %broadcast_in_dim3A_282 = vector.broadcast %broadcast_in_dim3A_281 : i32 to vector<16xi32>
    %gather3A_283 = tpu.vector_load_idx %arg9[%add3A_28, %broadcast_in_dim3A_282] : memref<32x32xf32, #tpu.memory_space<vmem>>[vector<16xi32>, vector<16xi32>], vector<16xf32>,
    %sub3A_284 = arith.subf %gather3A_283, %gather3A_280 : vector<16xf32>
    %mul3A_285 = arith.mulf %sub3A_284, %sub3A_284 : vector<16xf32>
    %add3A_286 = arith.addf %add3A_276, %mul3A_285 : vector<16xf32>
    %add3A_287 = arith.constant 26 : i32
    %add3A_288 = vector.broadcast %add3A_287 : i32 to vector<16xi32>
    %add3A_289 = arith.addi %mul3A_25, %add3A_288 : vector<16xi32>
    %gather3A_290 = tpu.vector_load_idx %arg8[%add3A_28, %add3A_289] : memref<32x128xf32, #tpu.memory_space<vmem>>[vector<16xi32>, vector<16xi32>], vector<16xf32>,
    %broadcast_in_dim3A_291 = arith.constant 26 : i32
    %broadcast_in_dim3A_292 = vector.broadcast %broadcast_in_dim3A_291 : i32 to vector<16xi32>
    %gather3A_293 = tpu.vector_load_idx %arg9[%add3A_28, %broadcast_in_dim3A_292] : memref<32x32xf32, #tpu.memory_space<vmem>>[vector<16xi32>, vector<16xi32>], vector<16xf32>,
    %sub3A_294 = arith.subf %gather3A_293, %gather3A_290 : vector<16xf32>
    %mul3A_295 = arith.mulf %sub3A_294, %sub3A_294 : vector<16xf32>
    %add3A_296 = arith.addf %add3A_286, %mul3A_295 : vector<16xf32>
    %add3A_297 = arith.constant 27 : i32
    %add3A_298 = vector.broadcast %add3A_297 : i32 to vector<16xi32>
    %add3A_299 = arith.addi %mul3A_25, %add3A_298 : vector<16xi32>
    %gather3A_300 = tpu.vector_load_idx %arg8[%add3A_28, %add3A_299] : memref<32x128xf32, #tpu.memory_space<vmem>>[vector<16xi32>, vector<16xi32>], vector<16xf32>,
    %broadcast_in_dim3A_301 = arith.constant 27 : i32
    %broadcast_in_dim3A_302 = vector.broadcast %broadcast_in_dim3A_301 : i32 to vector<16xi32>
    %gather3A_303 = tpu.vector_load_idx %arg9[%add3A_28, %broadcast_in_dim3A_302] : memref<32x32xf32, #tpu.memory_space<vmem>>[vector<16xi32>, vector<16xi32>], vector<16xf32>,
    %sub3A_304 = arith.subf %gather3A_303, %gather3A_300 : vector<16xf32>
    %mul3A_305 = arith.mulf %sub3A_304, %sub3A_304 : vector<16xf32>
    %add3A_306 = arith.addf %add3A_296, %mul3A_305 : vector<16xf32>
    %add3A_307 = arith.constant 28 : i32
    %add3A_308 = vector.broadcast %add3A_307 : i32 to vector<16xi32>
    %add3A_309 = arith.addi %mul3A_25, %add3A_308 : vector<16xi32>
    %gather3A_310 = tpu.vector_load_idx %arg8[%add3A_28, %add3A_309] : memref<32x128xf32, #tpu.memory_space<vmem>>[vector<16xi32>, vector<16xi32>], vector<16xf32>,
    %broadcast_in_dim3A_311 = arith.constant 28 : i32
    %broadcast_in_dim3A_312 = vector.broadcast %broadcast_in_dim3A_311 : i32 to vector<16xi32>
    %gather3A_313 = tpu.vector_load_idx %arg9[%add3A_28, %broadcast_in_dim3A_312] : memref<32x32xf32, #tpu.memory_space<vmem>>[vector<16xi32>, vector<16xi32>], vector<16xf32>,
    %sub3A_314 = arith.subf %gather3A_313, %gather3A_310 : vector<16xf32>
    %mul3A_315 = arith.mulf %sub3A_314, %sub3A_314 : vector<16xf32>
    %add3A_316 = arith.addf %add3A_306, %mul3A_315 : vector<16xf32>
    %add3A_317 = arith.constant 29 : i32
    %add3A_318 = vector.broadcast %add3A_317 : i32 to vector<16xi32>
    %add3A_319 = arith.addi %mul3A_25, %add3A_318 : vector<16xi32>
    %gather3A_320 = tpu.vector_load_idx %arg8[%add3A_28, %add3A_319] : memref<32x128xf32, #tpu.memory_space<vmem>>[vector<16xi32>, vector<16xi32>], vector<16xf32>,
    %broadcast_in_dim3A_321 = arith.constant 29 : i32
    %broadcast_in_dim3A_322 = vector.broadcast %broadcast_in_dim3A_321 : i32 to vector<16xi32>
    %gather3A_323 = tpu.vector_load_idx %arg9[%add3A_28, %broadcast_in_dim3A_322] : memref<32x32xf32, #tpu.memory_space<vmem>>[vector<16xi32>, vector<16xi32>], vector<16xf32>,
    %sub3A_324 = arith.subf %gather3A_323, %gather3A_320 : vector<16xf32>
    %mul3A_325 = arith.mulf %sub3A_324, %sub3A_324 : vector<16xf32>
    %add3A_326 = arith.addf %add3A_316, %mul3A_325 : vector<16xf32>
    %add3A_327 = arith.constant 30 : i32
    %add3A_328 = vector.broadcast %add3A_327 : i32 to vector<16xi32>
    %add3A_329 = arith.addi %mul3A_25, %add3A_328 : vector<16xi32>
    %gather3A_330 = tpu.vector_load_idx %arg8[%add3A_28, %add3A_329] : memref<32x128xf32, #tpu.memory_space<vmem>>[vector<16xi32>, vector<16xi32>], vector<16xf32>,
    %broadcast_in_dim3A_331 = arith.constant 30 : i32
    %broadcast_in_dim3A_332 = vector.broadcast %broadcast_in_dim3A_331 : i32 to vector<16xi32>
    %gather3A_333 = tpu.vector_load_idx %arg9[%add3A_28, %broadcast_in_dim3A_332] : memref<32x32xf32, #tpu.memory_space<vmem>>[vector<16xi32>, vector<16xi32>], vector<16xf32>,
    %sub3A_334 = arith.subf %gather3A_333, %gather3A_330 : vector<16xf32>
    %mul3A_335 = arith.mulf %sub3A_334, %sub3A_334 : vector<16xf32>
    %add3A_336 = arith.addf %add3A_326, %mul3A_335 : vector<16xf32>
    %add3A_337 = arith.constant 31 : i32
    %add3A_338 = vector.broadcast %add3A_337 : i32 to vector<16xi32>
    %add3A_339 = arith.addi %mul3A_25, %add3A_338 : vector<16xi32>
    %gather3A_340 = tpu.vector_load_idx %arg8[%add3A_28, %add3A_339] : memref<32x128xf32, #tpu.memory_space<vmem>>[vector<16xi32>, vector<16xi32>], vector<16xf32>,
    %broadcast_in_dim3A_341 = arith.constant 31 : i32
    %broadcast_in_dim3A_342 = vector.broadcast %broadcast_in_dim3A_341 : i32 to vector<16xi32>
    %gather3A_343 = tpu.vector_load_idx %arg9[%add3A_28, %broadcast_in_dim3A_342] : memref<32x32xf32, #tpu.memory_space<vmem>>[vector<16xi32>, vector<16xi32>], vector<16xf32>,
    %sub3A_344 = arith.subf %gather3A_343, %gather3A_340 : vector<16xf32>
    %mul3A_345 = arith.mulf %sub3A_344, %sub3A_344 : vector<16xf32>
    %add3A_346 = arith.addf %add3A_336, %mul3A_345 : vector<16xf32>
    %get3A_347 = arith.constant 16 : index
    %get3A_348 = tpu.vector_load %arg6[%get3A_347] {strides = array<i32>} : memref<32xi32, #tpu.memory_space<vmem>>, vector<16xi32>,
    %and3A_349 = arith.constant 3 : i32
    %and3A_350 = vector.broadcast %and3A_349 : i32 to vector<16xi32>
    %and3A_351 = arith.andi %get3A_348, %and3A_350 : vector<16xi32>
    %mul3A_352 = arith.constant 32 : i32
    %mul3A_353 = vector.broadcast %mul3A_352 : i32 to vector<16xi32>
    %mul3A_354 = arith.muli %and3A_351, %mul3A_353 : vector<16xi32>
    %add3A_355 = arith.constant 16 : i32
    %add3A_356 = vector.broadcast %add3A_355 : i32 to vector<16xi32>
    %add3A_357 = arith.addi %iota3A, %add3A_356 : vector<16xi32>
    %add3A_358 = arith.constant 0 : i32
    %add3A_359 = vector.broadcast %add3A_358 : i32 to vector<16xi32>
    %add3A_360 = arith.addi %mul3A_354, %add3A_359 : vector<16xi32>
    %gather3A_361 = tpu.vector_load_idx %arg8[%add3A_357, %add3A_360] : memref<32x128xf32, #tpu.memory_space<vmem>>[vector<16xi32>, vector<16xi32>], vector<16xf32>,
    %broadcast_in_dim3A_362 = arith.constant 0 : i32
    %broadcast_in_dim3A_363 = vector.broadcast %broadcast_in_dim3A_362 : i32 to vector<16xi32>
    %gather3A_364 = tpu.vector_load_idx %arg9[%add3A_357, %broadcast_in_dim3A_363] : memref<32x32xf32, #tpu.memory_space<vmem>>[vector<16xi32>, vector<16xi32>], vector<16xf32>,
    %sub3A_365 = arith.subf %gather3A_364, %gather3A_361 : vector<16xf32>
    %mul3A_366 = arith.mulf %sub3A_365, %sub3A_365 : vector<16xf32>
    %add3A_367 = arith.addf %add3A_346, %mul3A_366 : vector<16xf32>
    %add3A_368 = arith.constant 1 : i32
    %add3A_369 = vector.broadcast %add3A_368 : i32 to vector<16xi32>
    %add3A_370 = arith.addi %mul3A_354, %add3A_369 : vector<16xi32>
    %gather3A_371 = tpu.vector_load_idx %arg8[%add3A_357, %add3A_370] : memref<32x128xf32, #tpu.memory_space<vmem>>[vector<16xi32>, vector<16xi32>], vector<16xf32>,
    %broadcast_in_dim3A_372 = arith.constant 1 : i32
    %broadcast_in_dim3A_373 = vector.broadcast %broadcast_in_dim3A_372 : i32 to vector<16xi32>
    %gather3A_374 = tpu.vector_load_idx %arg9[%add3A_357, %broadcast_in_dim3A_373] : memref<32x32xf32, #tpu.memory_space<vmem>>[vector<16xi32>, vector<16xi32>], vector<16xf32>,
    %sub3A_375 = arith.subf %gather3A_374, %gather3A_371 : vector<16xf32>
    %mul3A_376 = arith.mulf %sub3A_375, %sub3A_375 : vector<16xf32>
    %add3A_377 = arith.addf %add3A_367, %mul3A_376 : vector<16xf32>
    %add3A_378 = arith.constant 2 : i32
    %add3A_379 = vector.broadcast %add3A_378 : i32 to vector<16xi32>
    %add3A_380 = arith.addi %mul3A_354, %add3A_379 : vector<16xi32>
    %gather3A_381 = tpu.vector_load_idx %arg8[%add3A_357, %add3A_380] : memref<32x128xf32, #tpu.memory_space<vmem>>[vector<16xi32>, vector<16xi32>], vector<16xf32>,
    %broadcast_in_dim3A_382 = arith.constant 2 : i32
    %broadcast_in_dim3A_383 = vector.broadcast %broadcast_in_dim3A_382 : i32 to vector<16xi32>
    %gather3A_384 = tpu.vector_load_idx %arg9[%add3A_357, %broadcast_in_dim3A_383] : memref<32x32xf32, #tpu.memory_space<vmem>>[vector<16xi32>, vector<16xi32>], vector<16xf32>,
    %sub3A_385 = arith.subf %gather3A_384, %gather3A_381 : vector<16xf32>
    %mul3A_386 = arith.mulf %sub3A_385, %sub3A_385 : vector<16xf32>
    %add3A_387 = arith.addf %add3A_377, %mul3A_386 : vector<16xf32>
    %add3A_388 = arith.constant 3 : i32
    %add3A_389 = vector.broadcast %add3A_388 : i32 to vector<16xi32>
    %add3A_390 = arith.addi %mul3A_354, %add3A_389 : vector<16xi32>
    %gather3A_391 = tpu.vector_load_idx %arg8[%add3A_357, %add3A_390] : memref<32x128xf32, #tpu.memory_space<vmem>>[vector<16xi32>, vector<16xi32>], vector<16xf32>,
    %broadcast_in_dim3A_392 = arith.constant 3 : i32
    %broadcast_in_dim3A_393 = vector.broadcast %broadcast_in_dim3A_392 : i32 to vector<16xi32>
    %gather3A_394 = tpu.vector_load_idx %arg9[%add3A_357, %broadcast_in_dim3A_393] : memref<32x32xf32, #tpu.memory_space<vmem>>[vector<16xi32>, vector<16xi32>], vector<16xf32>,
    %sub3A_395 = arith.subf %gather3A_394, %gather3A_391 : vector<16xf32>
    %mul3A_396 = arith.mulf %sub3A_395, %sub3A_395 : vector<16xf32>
    %add3A_397 = arith.addf %add3A_387, %mul3A_396 : vector<16xf32>
    %add3A_398 = arith.constant 4 : i32
    %add3A_399 = vector.broadcast %add3A_398 : i32 to vector<16xi32>
    %add3A_400 = arith.addi %mul3A_354, %add3A_399 : vector<16xi32>
    %gather3A_401 = tpu.vector_load_idx %arg8[%add3A_357, %add3A_400] : memref<32x128xf32, #tpu.memory_space<vmem>>[vector<16xi32>, vector<16xi32>], vector<16xf32>,
    %broadcast_in_dim3A_402 = arith.constant 4 : i32
    %broadcast_in_dim3A_403 = vector.broadcast %broadcast_in_dim3A_402 : i32 to vector<16xi32>
    %gather3A_404 = tpu.vector_load_idx %arg9[%add3A_357, %broadcast_in_dim3A_403] : memref<32x32xf32, #tpu.memory_space<vmem>>[vector<16xi32>, vector<16xi32>], vector<16xf32>,
    %sub3A_405 = arith.subf %gather3A_404, %gather3A_401 : vector<16xf32>
    %mul3A_406 = arith.mulf %sub3A_405, %sub3A_405 : vector<16xf32>
    %add3A_407 = arith.addf %add3A_397, %mul3A_406 : vector<16xf32>
    %add3A_408 = arith.constant 5 : i32
    %add3A_409 = vector.broadcast %add3A_408 : i32 to vector<16xi32>
    %add3A_410 = arith.addi %mul3A_354, %add3A_409 : vector<16xi32>
    %gather3A_411 = tpu.vector_load_idx %arg8[%add3A_357, %add3A_410] : memref<32x128xf32, #tpu.memory_space<vmem>>[vector<16xi32>, vector<16xi32>], vector<16xf32>,
    %broadcast_in_dim3A_412 = arith.constant 5 : i32
    %broadcast_in_dim3A_413 = vector.broadcast %broadcast_in_dim3A_412 : i32 to vector<16xi32>
    %gather3A_414 = tpu.vector_load_idx %arg9[%add3A_357, %broadcast_in_dim3A_413] : memref<32x32xf32, #tpu.memory_space<vmem>>[vector<16xi32>, vector<16xi32>], vector<16xf32>,
    %sub3A_415 = arith.subf %gather3A_414, %gather3A_411 : vector<16xf32>
    %mul3A_416 = arith.mulf %sub3A_415, %sub3A_415 : vector<16xf32>
    %add3A_417 = arith.addf %add3A_407, %mul3A_416 : vector<16xf32>
    %add3A_418 = arith.constant 6 : i32
    %add3A_419 = vector.broadcast %add3A_418 : i32 to vector<16xi32>
    %add3A_420 = arith.addi %mul3A_354, %add3A_419 : vector<16xi32>
    %gather3A_421 = tpu.vector_load_idx %arg8[%add3A_357, %add3A_420] : memref<32x128xf32, #tpu.memory_space<vmem>>[vector<16xi32>, vector<16xi32>], vector<16xf32>,
    %broadcast_in_dim3A_422 = arith.constant 6 : i32
    %broadcast_in_dim3A_423 = vector.broadcast %broadcast_in_dim3A_422 : i32 to vector<16xi32>
    %gather3A_424 = tpu.vector_load_idx %arg9[%add3A_357, %broadcast_in_dim3A_423] : memref<32x32xf32, #tpu.memory_space<vmem>>[vector<16xi32>, vector<16xi32>], vector<16xf32>,
    %sub3A_425 = arith.subf %gather3A_424, %gather3A_421 : vector<16xf32>
    %mul3A_426 = arith.mulf %sub3A_425, %sub3A_425 : vector<16xf32>
    %add3A_427 = arith.addf %add3A_417, %mul3A_426 : vector<16xf32>
    %add3A_428 = arith.constant 7 : i32
    %add3A_429 = vector.broadcast %add3A_428 : i32 to vector<16xi32>
    %add3A_430 = arith.addi %mul3A_354, %add3A_429 : vector<16xi32>
    %gather3A_431 = tpu.vector_load_idx %arg8[%add3A_357, %add3A_430] : memref<32x128xf32, #tpu.memory_space<vmem>>[vector<16xi32>, vector<16xi32>], vector<16xf32>,
    %broadcast_in_dim3A_432 = arith.constant 7 : i32
    %broadcast_in_dim3A_433 = vector.broadcast %broadcast_in_dim3A_432 : i32 to vector<16xi32>
    %gather3A_434 = tpu.vector_load_idx %arg9[%add3A_357, %broadcast_in_dim3A_433] : memref<32x32xf32, #tpu.memory_space<vmem>>[vector<16xi32>, vector<16xi32>], vector<16xf32>,
    %sub3A_435 = arith.subf %gather3A_434, %gather3A_431 : vector<16xf32>
    %mul3A_436 = arith.mulf %sub3A_435, %sub3A_435 : vector<16xf32>
    %add3A_437 = arith.addf %add3A_427, %mul3A_436 : vector<16xf32>
    %add3A_438 = arith.constant 8 : i32
    %add3A_439 = vector.broadcast %add3A_438 : i32 to vector<16xi32>
    %add3A_440 = arith.addi %mul3A_354, %add3A_439 : vector<16xi32>
    %gather3A_441 = tpu.vector_load_idx %arg8[%add3A_357, %add3A_440] : memref<32x128xf32, #tpu.memory_space<vmem>>[vector<16xi32>, vector<16xi32>], vector<16xf32>,
    %broadcast_in_dim3A_442 = arith.constant 8 : i32
    %broadcast_in_dim3A_443 = vector.broadcast %broadcast_in_dim3A_442 : i32 to vector<16xi32>
    %gather3A_444 = tpu.vector_load_idx %arg9[%add3A_357, %broadcast_in_dim3A_443] : memref<32x32xf32, #tpu.memory_space<vmem>>[vector<16xi32>, vector<16xi32>], vector<16xf32>,
    %sub3A_445 = arith.subf %gather3A_444, %gather3A_441 : vector<16xf32>
    %mul3A_446 = arith.mulf %sub3A_445, %sub3A_445 : vector<16xf32>
    %add3A_447 = arith.addf %add3A_437, %mul3A_446 : vector<16xf32>
    %add3A_448 = arith.constant 9 : i32
    %add3A_449 = vector.broadcast %add3A_448 : i32 to vector<16xi32>
    %add3A_450 = arith.addi %mul3A_354, %add3A_449 : vector<16xi32>
    %gather3A_451 = tpu.vector_load_idx %arg8[%add3A_357, %add3A_450] : memref<32x128xf32, #tpu.memory_space<vmem>>[vector<16xi32>, vector<16xi32>], vector<16xf32>,
    %broadcast_in_dim3A_452 = arith.constant 9 : i32
    %broadcast_in_dim3A_453 = vector.broadcast %broadcast_in_dim3A_452 : i32 to vector<16xi32>
    %gather3A_454 = tpu.vector_load_idx %arg9[%add3A_357, %broadcast_in_dim3A_453] : memref<32x32xf32, #tpu.memory_space<vmem>>[vector<16xi32>, vector<16xi32>], vector<16xf32>,
    %sub3A_455 = arith.subf %gather3A_454, %gather3A_451 : vector<16xf32>
    %mul3A_456 = arith.mulf %sub3A_455, %sub3A_455 : vector<16xf32>
    %add3A_457 = arith.addf %add3A_447, %mul3A_456 : vector<16xf32>
    %add3A_458 = arith.constant 10 : i32
    %add3A_459 = vector.broadcast %add3A_458 : i32 to vector<16xi32>
    %add3A_460 = arith.addi %mul3A_354, %add3A_459 : vector<16xi32>
    %gather3A_461 = tpu.vector_load_idx %arg8[%add3A_357, %add3A_460] : memref<32x128xf32, #tpu.memory_space<vmem>>[vector<16xi32>, vector<16xi32>], vector<16xf32>,
    %broadcast_in_dim3A_462 = arith.constant 10 : i32
    %broadcast_in_dim3A_463 = vector.broadcast %broadcast_in_dim3A_462 : i32 to vector<16xi32>
    %gather3A_464 = tpu.vector_load_idx %arg9[%add3A_357, %broadcast_in_dim3A_463] : memref<32x32xf32, #tpu.memory_space<vmem>>[vector<16xi32>, vector<16xi32>], vector<16xf32>,
    %sub3A_465 = arith.subf %gather3A_464, %gather3A_461 : vector<16xf32>
    %mul3A_466 = arith.mulf %sub3A_465, %sub3A_465 : vector<16xf32>
    %add3A_467 = arith.addf %add3A_457, %mul3A_466 : vector<16xf32>
    %add3A_468 = arith.constant 11 : i32
    %add3A_469 = vector.broadcast %add3A_468 : i32 to vector<16xi32>
    %add3A_470 = arith.addi %mul3A_354, %add3A_469 : vector<16xi32>
    %gather3A_471 = tpu.vector_load_idx %arg8[%add3A_357, %add3A_470] : memref<32x128xf32, #tpu.memory_space<vmem>>[vector<16xi32>, vector<16xi32>], vector<16xf32>,
    %broadcast_in_dim3A_472 = arith.constant 11 : i32
    %broadcast_in_dim3A_473 = vector.broadcast %broadcast_in_dim3A_472 : i32 to vector<16xi32>
    %gather3A_474 = tpu.vector_load_idx %arg9[%add3A_357, %broadcast_in_dim3A_473] : memref<32x32xf32, #tpu.memory_space<vmem>>[vector<16xi32>, vector<16xi32>], vector<16xf32>,
    %sub3A_475 = arith.subf %gather3A_474, %gather3A_471 : vector<16xf32>
    %mul3A_476 = arith.mulf %sub3A_475, %sub3A_475 : vector<16xf32>
    %add3A_477 = arith.addf %add3A_467, %mul3A_476 : vector<16xf32>
    %add3A_478 = arith.constant 12 : i32
    %add3A_479 = vector.broadcast %add3A_478 : i32 to vector<16xi32>
    %add3A_480 = arith.addi %mul3A_354, %add3A_479 : vector<16xi32>
    %gather3A_481 = tpu.vector_load_idx %arg8[%add3A_357, %add3A_480] : memref<32x128xf32, #tpu.memory_space<vmem>>[vector<16xi32>, vector<16xi32>], vector<16xf32>,
    %broadcast_in_dim3A_482 = arith.constant 12 : i32
    %broadcast_in_dim3A_483 = vector.broadcast %broadcast_in_dim3A_482 : i32 to vector<16xi32>
    %gather3A_484 = tpu.vector_load_idx %arg9[%add3A_357, %broadcast_in_dim3A_483] : memref<32x32xf32, #tpu.memory_space<vmem>>[vector<16xi32>, vector<16xi32>], vector<16xf32>,
    %sub3A_485 = arith.subf %gather3A_484, %gather3A_481 : vector<16xf32>
    %mul3A_486 = arith.mulf %sub3A_485, %sub3A_485 : vector<16xf32>
    %add3A_487 = arith.addf %add3A_477, %mul3A_486 : vector<16xf32>
    %add3A_488 = arith.constant 13 : i32
    %add3A_489 = vector.broadcast %add3A_488 : i32 to vector<16xi32>
    %add3A_490 = arith.addi %mul3A_354, %add3A_489 : vector<16xi32>
    %gather3A_491 = tpu.vector_load_idx %arg8[%add3A_357, %add3A_490] : memref<32x128xf32, #tpu.memory_space<vmem>>[vector<16xi32>, vector<16xi32>], vector<16xf32>,
    %broadcast_in_dim3A_492 = arith.constant 13 : i32
    %broadcast_in_dim3A_493 = vector.broadcast %broadcast_in_dim3A_492 : i32 to vector<16xi32>
    %gather3A_494 = tpu.vector_load_idx %arg9[%add3A_357, %broadcast_in_dim3A_493] : memref<32x32xf32, #tpu.memory_space<vmem>>[vector<16xi32>, vector<16xi32>], vector<16xf32>,
    %sub3A_495 = arith.subf %gather3A_494, %gather3A_491 : vector<16xf32>
    %mul3A_496 = arith.mulf %sub3A_495, %sub3A_495 : vector<16xf32>
    %add3A_497 = arith.addf %add3A_487, %mul3A_496 : vector<16xf32>
    %add3A_498 = arith.constant 14 : i32
    %add3A_499 = vector.broadcast %add3A_498 : i32 to vector<16xi32>
    %add3A_500 = arith.addi %mul3A_354, %add3A_499 : vector<16xi32>
    %gather3A_501 = tpu.vector_load_idx %arg8[%add3A_357, %add3A_500] : memref<32x128xf32, #tpu.memory_space<vmem>>[vector<16xi32>, vector<16xi32>], vector<16xf32>,
    %broadcast_in_dim3A_502 = arith.constant 14 : i32
    %broadcast_in_dim3A_503 = vector.broadcast %broadcast_in_dim3A_502 : i32 to vector<16xi32>
    %gather3A_504 = tpu.vector_load_idx %arg9[%add3A_357, %broadcast_in_dim3A_503] : memref<32x32xf32, #tpu.memory_space<vmem>>[vector<16xi32>, vector<16xi32>], vector<16xf32>,
    %sub3A_505 = arith.subf %gather3A_504, %gather3A_501 : vector<16xf32>
    %mul3A_506 = arith.mulf %sub3A_505, %sub3A_505 : vector<16xf32>
    %add3A_507 = arith.addf %add3A_497, %mul3A_506 : vector<16xf32>
    %add3A_508 = arith.constant 15 : i32
    %add3A_509 = vector.broadcast %add3A_508 : i32 to vector<16xi32>
    %add3A_510 = arith.addi %mul3A_354, %add3A_509 : vector<16xi32>
    %gather3A_511 = tpu.vector_load_idx %arg8[%add3A_357, %add3A_510] : memref<32x128xf32, #tpu.memory_space<vmem>>[vector<16xi32>, vector<16xi32>], vector<16xf32>,
    %broadcast_in_dim3A_512 = arith.constant 15 : i32
    %broadcast_in_dim3A_513 = vector.broadcast %broadcast_in_dim3A_512 : i32 to vector<16xi32>
    %gather3A_514 = tpu.vector_load_idx %arg9[%add3A_357, %broadcast_in_dim3A_513] : memref<32x32xf32, #tpu.memory_space<vmem>>[vector<16xi32>, vector<16xi32>], vector<16xf32>,
    %sub3A_515 = arith.subf %gather3A_514, %gather3A_511 : vector<16xf32>
    %mul3A_516 = arith.mulf %sub3A_515, %sub3A_515 : vector<16xf32>
    %add3A_517 = arith.addf %add3A_507, %mul3A_516 : vector<16xf32>
    %add3A_518 = arith.constant 16 : i32
    %add3A_519 = vector.broadcast %add3A_518 : i32 to vector<16xi32>
    %add3A_520 = arith.addi %mul3A_354, %add3A_519 : vector<16xi32>
    %gather3A_521 = tpu.vector_load_idx %arg8[%add3A_357, %add3A_520] : memref<32x128xf32, #tpu.memory_space<vmem>>[vector<16xi32>, vector<16xi32>], vector<16xf32>,
    %broadcast_in_dim3A_522 = arith.constant 16 : i32
    %broadcast_in_dim3A_523 = vector.broadcast %broadcast_in_dim3A_522 : i32 to vector<16xi32>
    %gather3A_524 = tpu.vector_load_idx %arg9[%add3A_357, %broadcast_in_dim3A_523] : memref<32x32xf32, #tpu.memory_space<vmem>>[vector<16xi32>, vector<16xi32>], vector<16xf32>,
    %sub3A_525 = arith.subf %gather3A_524, %gather3A_521 : vector<16xf32>
    %mul3A_526 = arith.mulf %sub3A_525, %sub3A_525 : vector<16xf32>
    %add3A_527 = arith.addf %add3A_517, %mul3A_526 : vector<16xf32>
    %add3A_528 = arith.constant 17 : i32
    %add3A_529 = vector.broadcast %add3A_528 : i32 to vector<16xi32>
    %add3A_530 = arith.addi %mul3A_354, %add3A_529 : vector<16xi32>
    %gather3A_531 = tpu.vector_load_idx %arg8[%add3A_357, %add3A_530] : memref<32x128xf32, #tpu.memory_space<vmem>>[vector<16xi32>, vector<16xi32>], vector<16xf32>,
    %broadcast_in_dim3A_532 = arith.constant 17 : i32
    %broadcast_in_dim3A_533 = vector.broadcast %broadcast_in_dim3A_532 : i32 to vector<16xi32>
    %gather3A_534 = tpu.vector_load_idx %arg9[%add3A_357, %broadcast_in_dim3A_533] : memref<32x32xf32, #tpu.memory_space<vmem>>[vector<16xi32>, vector<16xi32>], vector<16xf32>,
    %sub3A_535 = arith.subf %gather3A_534, %gather3A_531 : vector<16xf32>
    %mul3A_536 = arith.mulf %sub3A_535, %sub3A_535 : vector<16xf32>
    %add3A_537 = arith.addf %add3A_527, %mul3A_536 : vector<16xf32>
    %add3A_538 = arith.constant 18 : i32
    %add3A_539 = vector.broadcast %add3A_538 : i32 to vector<16xi32>
    %add3A_540 = arith.addi %mul3A_354, %add3A_539 : vector<16xi32>
    %gather3A_541 = tpu.vector_load_idx %arg8[%add3A_357, %add3A_540] : memref<32x128xf32, #tpu.memory_space<vmem>>[vector<16xi32>, vector<16xi32>], vector<16xf32>,
    %broadcast_in_dim3A_542 = arith.constant 18 : i32
    %broadcast_in_dim3A_543 = vector.broadcast %broadcast_in_dim3A_542 : i32 to vector<16xi32>
    %gather3A_544 = tpu.vector_load_idx %arg9[%add3A_357, %broadcast_in_dim3A_543] : memref<32x32xf32, #tpu.memory_space<vmem>>[vector<16xi32>, vector<16xi32>], vector<16xf32>,
    %sub3A_545 = arith.subf %gather3A_544, %gather3A_541 : vector<16xf32>
    %mul3A_546 = arith.mulf %sub3A_545, %sub3A_545 : vector<16xf32>
    %add3A_547 = arith.addf %add3A_537, %mul3A_546 : vector<16xf32>
    %add3A_548 = arith.constant 19 : i32
    %add3A_549 = vector.broadcast %add3A_548 : i32 to vector<16xi32>
    %add3A_550 = arith.addi %mul3A_354, %add3A_549 : vector<16xi32>
    %gather3A_551 = tpu.vector_load_idx %arg8[%add3A_357, %add3A_550] : memref<32x128xf32, #tpu.memory_space<vmem>>[vector<16xi32>, vector<16xi32>], vector<16xf32>,
    %broadcast_in_dim3A_552 = arith.constant 19 : i32
    %broadcast_in_dim3A_553 = vector.broadcast %broadcast_in_dim3A_552 : i32 to vector<16xi32>
    %gather3A_554 = tpu.vector_load_idx %arg9[%add3A_357, %broadcast_in_dim3A_553] : memref<32x32xf32, #tpu.memory_space<vmem>>[vector<16xi32>, vector<16xi32>], vector<16xf32>,
    %sub3A_555 = arith.subf %gather3A_554, %gather3A_551 : vector<16xf32>
    %mul3A_556 = arith.mulf %sub3A_555, %sub3A_555 : vector<16xf32>
    %add3A_557 = arith.addf %add3A_547, %mul3A_556 : vector<16xf32>
    %add3A_558 = arith.constant 20 : i32
    %add3A_559 = vector.broadcast %add3A_558 : i32 to vector<16xi32>
    %add3A_560 = arith.addi %mul3A_354, %add3A_559 : vector<16xi32>
    %gather3A_561 = tpu.vector_load_idx %arg8[%add3A_357, %add3A_560] : memref<32x128xf32, #tpu.memory_space<vmem>>[vector<16xi32>, vector<16xi32>], vector<16xf32>,
    %broadcast_in_dim3A_562 = arith.constant 20 : i32
    %broadcast_in_dim3A_563 = vector.broadcast %broadcast_in_dim3A_562 : i32 to vector<16xi32>
    %gather3A_564 = tpu.vector_load_idx %arg9[%add3A_357, %broadcast_in_dim3A_563] : memref<32x32xf32, #tpu.memory_space<vmem>>[vector<16xi32>, vector<16xi32>], vector<16xf32>,
    %sub3A_565 = arith.subf %gather3A_564, %gather3A_561 : vector<16xf32>
    %mul3A_566 = arith.mulf %sub3A_565, %sub3A_565 : vector<16xf32>
    %add3A_567 = arith.addf %add3A_557, %mul3A_566 : vector<16xf32>
    %add3A_568 = arith.constant 21 : i32
    %add3A_569 = vector.broadcast %add3A_568 : i32 to vector<16xi32>
    %add3A_570 = arith.addi %mul3A_354, %add3A_569 : vector<16xi32>
    %gather3A_571 = tpu.vector_load_idx %arg8[%add3A_357, %add3A_570] : memref<32x128xf32, #tpu.memory_space<vmem>>[vector<16xi32>, vector<16xi32>], vector<16xf32>,
    %broadcast_in_dim3A_572 = arith.constant 21 : i32
    %broadcast_in_dim3A_573 = vector.broadcast %broadcast_in_dim3A_572 : i32 to vector<16xi32>
    %gather3A_574 = tpu.vector_load_idx %arg9[%add3A_357, %broadcast_in_dim3A_573] : memref<32x32xf32, #tpu.memory_space<vmem>>[vector<16xi32>, vector<16xi32>], vector<16xf32>,
    %sub3A_575 = arith.subf %gather3A_574, %gather3A_571 : vector<16xf32>
    %mul3A_576 = arith.mulf %sub3A_575, %sub3A_575 : vector<16xf32>
    %add3A_577 = arith.addf %add3A_567, %mul3A_576 : vector<16xf32>
    %add3A_578 = arith.constant 22 : i32
    %add3A_579 = vector.broadcast %add3A_578 : i32 to vector<16xi32>
    %add3A_580 = arith.addi %mul3A_354, %add3A_579 : vector<16xi32>
    %gather3A_581 = tpu.vector_load_idx %arg8[%add3A_357, %add3A_580] : memref<32x128xf32, #tpu.memory_space<vmem>>[vector<16xi32>, vector<16xi32>], vector<16xf32>,
    %broadcast_in_dim3A_582 = arith.constant 22 : i32
    %broadcast_in_dim3A_583 = vector.broadcast %broadcast_in_dim3A_582 : i32 to vector<16xi32>
    %gather3A_584 = tpu.vector_load_idx %arg9[%add3A_357, %broadcast_in_dim3A_583] : memref<32x32xf32, #tpu.memory_space<vmem>>[vector<16xi32>, vector<16xi32>], vector<16xf32>,
    %sub3A_585 = arith.subf %gather3A_584, %gather3A_581 : vector<16xf32>
    %mul3A_586 = arith.mulf %sub3A_585, %sub3A_585 : vector<16xf32>
    %add3A_587 = arith.addf %add3A_577, %mul3A_586 : vector<16xf32>
    %add3A_588 = arith.constant 23 : i32
    %add3A_589 = vector.broadcast %add3A_588 : i32 to vector<16xi32>
    %add3A_590 = arith.addi %mul3A_354, %add3A_589 : vector<16xi32>
    %gather3A_591 = tpu.vector_load_idx %arg8[%add3A_357, %add3A_590] : memref<32x128xf32, #tpu.memory_space<vmem>>[vector<16xi32>, vector<16xi32>], vector<16xf32>,
    %broadcast_in_dim3A_592 = arith.constant 23 : i32
    %broadcast_in_dim3A_593 = vector.broadcast %broadcast_in_dim3A_592 : i32 to vector<16xi32>
    %gather3A_594 = tpu.vector_load_idx %arg9[%add3A_357, %broadcast_in_dim3A_593] : memref<32x32xf32, #tpu.memory_space<vmem>>[vector<16xi32>, vector<16xi32>], vector<16xf32>,
    %sub3A_595 = arith.subf %gather3A_594, %gather3A_591 : vector<16xf32>
    %mul3A_596 = arith.mulf %sub3A_595, %sub3A_595 : vector<16xf32>
    %add3A_597 = arith.addf %add3A_587, %mul3A_596 : vector<16xf32>
    %add3A_598 = arith.constant 24 : i32
    %add3A_599 = vector.broadcast %add3A_598 : i32 to vector<16xi32>
    %add3A_600 = arith.addi %mul3A_354, %add3A_599 : vector<16xi32>
    %gather3A_601 = tpu.vector_load_idx %arg8[%add3A_357, %add3A_600] : memref<32x128xf32, #tpu.memory_space<vmem>>[vector<16xi32>, vector<16xi32>], vector<16xf32>,
    %broadcast_in_dim3A_602 = arith.constant 24 : i32
    %broadcast_in_dim3A_603 = vector.broadcast %broadcast_in_dim3A_602 : i32 to vector<16xi32>
    %gather3A_604 = tpu.vector_load_idx %arg9[%add3A_357, %broadcast_in_dim3A_603] : memref<32x32xf32, #tpu.memory_space<vmem>>[vector<16xi32>, vector<16xi32>], vector<16xf32>,
    %sub3A_605 = arith.subf %gather3A_604, %gather3A_601 : vector<16xf32>
    %mul3A_606 = arith.mulf %sub3A_605, %sub3A_605 : vector<16xf32>
    %add3A_607 = arith.addf %add3A_597, %mul3A_606 : vector<16xf32>
    %add3A_608 = arith.constant 25 : i32
    %add3A_609 = vector.broadcast %add3A_608 : i32 to vector<16xi32>
    %add3A_610 = arith.addi %mul3A_354, %add3A_609 : vector<16xi32>
    %gather3A_611 = tpu.vector_load_idx %arg8[%add3A_357, %add3A_610] : memref<32x128xf32, #tpu.memory_space<vmem>>[vector<16xi32>, vector<16xi32>], vector<16xf32>,
    %broadcast_in_dim3A_612 = arith.constant 25 : i32
    %broadcast_in_dim3A_613 = vector.broadcast %broadcast_in_dim3A_612 : i32 to vector<16xi32>
    %gather3A_614 = tpu.vector_load_idx %arg9[%add3A_357, %broadcast_in_dim3A_613] : memref<32x32xf32, #tpu.memory_space<vmem>>[vector<16xi32>, vector<16xi32>], vector<16xf32>,
    %sub3A_615 = arith.subf %gather3A_614, %gather3A_611 : vector<16xf32>
    %mul3A_616 = arith.mulf %sub3A_615, %sub3A_615 : vector<16xf32>
    %add3A_617 = arith.addf %add3A_607, %mul3A_616 : vector<16xf32>
    %add3A_618 = arith.constant 26 : i32
    %add3A_619 = vector.broadcast %add3A_618 : i32 to vector<16xi32>
    %add3A_620 = arith.addi %mul3A_354, %add3A_619 : vector<16xi32>
    %gather3A_621 = tpu.vector_load_idx %arg8[%add3A_357, %add3A_620] : memref<32x128xf32, #tpu.memory_space<vmem>>[vector<16xi32>, vector<16xi32>], vector<16xf32>,
    %broadcast_in_dim3A_622 = arith.constant 26 : i32
    %broadcast_in_dim3A_623 = vector.broadcast %broadcast_in_dim3A_622 : i32 to vector<16xi32>
    %gather3A_624 = tpu.vector_load_idx %arg9[%add3A_357, %broadcast_in_dim3A_623] : memref<32x32xf32, #tpu.memory_space<vmem>>[vector<16xi32>, vector<16xi32>], vector<16xf32>,
    %sub3A_625 = arith.subf %gather3A_624, %gather3A_621 : vector<16xf32>
    %mul3A_626 = arith.mulf %sub3A_625, %sub3A_625 : vector<16xf32>
    %add3A_627 = arith.addf %add3A_617, %mul3A_626 : vector<16xf32>
    %add3A_628 = arith.constant 27 : i32
    %add3A_629 = vector.broadcast %add3A_628 : i32 to vector<16xi32>
    %add3A_630 = arith.addi %mul3A_354, %add3A_629 : vector<16xi32>
    %gather3A_631 = tpu.vector_load_idx %arg8[%add3A_357, %add3A_630] : memref<32x128xf32, #tpu.memory_space<vmem>>[vector<16xi32>, vector<16xi32>], vector<16xf32>,
    %broadcast_in_dim3A_632 = arith.constant 27 : i32
    %broadcast_in_dim3A_633 = vector.broadcast %broadcast_in_dim3A_632 : i32 to vector<16xi32>
    %gather3A_634 = tpu.vector_load_idx %arg9[%add3A_357, %broadcast_in_dim3A_633] : memref<32x32xf32, #tpu.memory_space<vmem>>[vector<16xi32>, vector<16xi32>], vector<16xf32>,
    %sub3A_635 = arith.subf %gather3A_634, %gather3A_631 : vector<16xf32>
    %mul3A_636 = arith.mulf %sub3A_635, %sub3A_635 : vector<16xf32>
    %add3A_637 = arith.addf %add3A_627, %mul3A_636 : vector<16xf32>
    %add3A_638 = arith.constant 28 : i32
    %add3A_639 = vector.broadcast %add3A_638 : i32 to vector<16xi32>
    %add3A_640 = arith.addi %mul3A_354, %add3A_639 : vector<16xi32>
    %gather3A_641 = tpu.vector_load_idx %arg8[%add3A_357, %add3A_640] : memref<32x128xf32, #tpu.memory_space<vmem>>[vector<16xi32>, vector<16xi32>], vector<16xf32>,
    %broadcast_in_dim3A_642 = arith.constant 28 : i32
    %broadcast_in_dim3A_643 = vector.broadcast %broadcast_in_dim3A_642 : i32 to vector<16xi32>
    %gather3A_644 = tpu.vector_load_idx %arg9[%add3A_357, %broadcast_in_dim3A_643] : memref<32x32xf32, #tpu.memory_space<vmem>>[vector<16xi32>, vector<16xi32>], vector<16xf32>,
    %sub3A_645 = arith.subf %gather3A_644, %gather3A_641 : vector<16xf32>
    %mul3A_646 = arith.mulf %sub3A_645, %sub3A_645 : vector<16xf32>
    %add3A_647 = arith.addf %add3A_637, %mul3A_646 : vector<16xf32>
    %add3A_648 = arith.constant 29 : i32
    %add3A_649 = vector.broadcast %add3A_648 : i32 to vector<16xi32>
    %add3A_650 = arith.addi %mul3A_354, %add3A_649 : vector<16xi32>
    %gather3A_651 = tpu.vector_load_idx %arg8[%add3A_357, %add3A_650] : memref<32x128xf32, #tpu.memory_space<vmem>>[vector<16xi32>, vector<16xi32>], vector<16xf32>,
    %broadcast_in_dim3A_652 = arith.constant 29 : i32
    %broadcast_in_dim3A_653 = vector.broadcast %broadcast_in_dim3A_652 : i32 to vector<16xi32>
    %gather3A_654 = tpu.vector_load_idx %arg9[%add3A_357, %broadcast_in_dim3A_653] : memref<32x32xf32, #tpu.memory_space<vmem>>[vector<16xi32>, vector<16xi32>], vector<16xf32>,
    %sub3A_655 = arith.subf %gather3A_654, %gather3A_651 : vector<16xf32>
    %mul3A_656 = arith.mulf %sub3A_655, %sub3A_655 : vector<16xf32>
    %add3A_657 = arith.addf %add3A_647, %mul3A_656 : vector<16xf32>
    %add3A_658 = arith.constant 30 : i32
    %add3A_659 = vector.broadcast %add3A_658 : i32 to vector<16xi32>
    %add3A_660 = arith.addi %mul3A_354, %add3A_659 : vector<16xi32>
    %gather3A_661 = tpu.vector_load_idx %arg8[%add3A_357, %add3A_660] : memref<32x128xf32, #tpu.memory_space<vmem>>[vector<16xi32>, vector<16xi32>], vector<16xf32>,
    %broadcast_in_dim3A_662 = arith.constant 30 : i32
    %broadcast_in_dim3A_663 = vector.broadcast %broadcast_in_dim3A_662 : i32 to vector<16xi32>
    %gather3A_664 = tpu.vector_load_idx %arg9[%add3A_357, %broadcast_in_dim3A_663] : memref<32x32xf32, #tpu.memory_space<vmem>>[vector<16xi32>, vector<16xi32>], vector<16xf32>,
    %sub3A_665 = arith.subf %gather3A_664, %gather3A_661 : vector<16xf32>
    %mul3A_666 = arith.mulf %sub3A_665, %sub3A_665 : vector<16xf32>
    %add3A_667 = arith.addf %add3A_657, %mul3A_666 : vector<16xf32>
    %add3A_668 = arith.constant 31 : i32
    %add3A_669 = vector.broadcast %add3A_668 : i32 to vector<16xi32>
    %add3A_670 = arith.addi %mul3A_354, %add3A_669 : vector<16xi32>
    %gather3A_671 = tpu.vector_load_idx %arg8[%add3A_357, %add3A_670] : memref<32x128xf32, #tpu.memory_space<vmem>>[vector<16xi32>, vector<16xi32>], vector<16xf32>,
    %broadcast_in_dim3A_672 = arith.constant 31 : i32
    %broadcast_in_dim3A_673 = vector.broadcast %broadcast_in_dim3A_672 : i32 to vector<16xi32>
    %gather3A_674 = tpu.vector_load_idx %arg9[%add3A_357, %broadcast_in_dim3A_673] : memref<32x32xf32, #tpu.memory_space<vmem>>[vector<16xi32>, vector<16xi32>], vector<16xf32>,
    %sub3A_675 = arith.subf %gather3A_674, %gather3A_671 : vector<16xf32>
    %mul3A_676 = arith.mulf %sub3A_675, %sub3A_675 : vector<16xf32>
    %add3A_677 = arith.addf %add3A_667, %mul3A_676 : vector<16xf32>
    %swap3A_678 = arith.constant 0 : index
    %swap3A_679 = tpu.vector_load %arg10[%swap3A_678] {strides = array<i32>} : memref<16xf32, #tpu.memory_space<vmem>>, vector<16xf32>,
    tpu.vector_store %arg10[%swap3A_678], %add3A_677 {strides = array<i32>} : memref<16xf32, #tpu.memory_space<vmem>>, vector<16xf32>,
    "tpu.region"() ({
      %run_scoped3A = tpu.sem_alloc : memref<!tpu.dma_semaphore, #tpu.memory_space<semaphore_mem>>
      %dma_start3A_680 = arith.constant 0 : i32
      %dma_start3A_681 = tpu.memref_slice %arg5[%add3A, %dma_start3A_680] : memref<32x16xf32, #tpu.memory_space<hbm>> -> memref<1x16xf32, #tpu.memory_space<hbm>>
      %dma_start3A_682 = tpu.memref_squeeze %dma_start3A_681 : memref<1x16xf32, #tpu.memory_space<hbm>> -> memref<16xf32, #tpu.memory_space<hbm>>
      %dma_start3A_683 = arith.constant 0 : i32
      %dma_start3A_684 = tpu.memref_slice %arg5[%add3A, %dma_start3A_683] : memref<32x16xf32, #tpu.memory_space<hbm>> -> memref<1x16xf32, #tpu.memory_space<hbm>>
      %dma_start3A_685 = tpu.memref_squeeze %dma_start3A_684 : memref<1x16xf32, #tpu.memory_space<hbm>> -> memref<16xf32, #tpu.memory_space<hbm>>
      tpu.enqueue_dma source(%arg10 : memref<16xf32, #tpu.memory_space<vmem>>) target(%dma_start3A_685 : memref<16xf32, #tpu.memory_space<hbm>>) target_semaphore(%run_scoped3A : memref<!tpu.dma_semaphore, #tpu.memory_space<semaphore_mem>>)
      %dma_wait3A_686 = arith.constant 0 : i32
      %dma_wait3A_687 = tpu.memref_slice %arg5[%add3A, %dma_wait3A_686] : memref<32x16xf32, #tpu.memory_space<hbm>> -> memref<1x16xf32, #tpu.memory_space<hbm>>
      %dma_wait3A_688 = tpu.memref_squeeze %dma_wait3A_687 : memref<1x16xf32, #tpu.memory_space<hbm>> -> memref<16xf32, #tpu.memory_space<hbm>>
      %dma_wait3A_689 = arith.constant 0 : i32
      %dma_wait3A_690 = tpu.memref_slice %arg5[%add3A, %dma_wait3A_689] : memref<32x16xf32, #tpu.memory_space<hbm>> -> memref<1x16xf32, #tpu.memory_space<hbm>>
      %dma_wait3A_691 = tpu.memref_squeeze %dma_wait3A_690 : memref<1x16xf32, #tpu.memory_space<hbm>> -> memref<16xf32, #tpu.memory_space<hbm>>
      tpu.wait_dma2 semaphore(%run_scoped3A : memref<!tpu.dma_semaphore, #tpu.memory_space<semaphore_mem>>) src(%arg10 : memref<16xf32, #tpu.memory_space<vmem>>) dst(%dma_wait3A_691 : memref<16xf32, #tpu.memory_space<hbm>>)
      tpu.yield
    }) : () -> ()
    return
  }
}

module attributes {stable_mosaic.version = 14 : i64} {
  func.func @_argmax_body(%arg0: i32, %arg1: memref<1024x32xf32, #tpu.memory_space<vmem>>, %arg2: memref<4000x32xf32, #tpu.memory_space<vmem>>, %arg3: memref<1024x1xf32, #tpu.memory_space<vmem>>, %arg4: memref<1024x1xi32, #tpu.memory_space<vmem>>) attributes {dimension_semantics = [#tpu.dimension_semantics<arbitrary>], iteration_bounds = array<i64: 25>, scalar_prefetch = 0 : i64, scratch_operands = 0 : i64, tpu.core_type = #tpu.core_type<tc>, window_params = [{pipeline_mode = #tpu.pipeline_mode<synchronous>, transform_indices = @transform_0, window_bounds = array<i64: 1024, 32>}, {transform_indices = @transform_1, window_bounds = array<i64: 4000, 32>}, {pipeline_mode = #tpu.pipeline_mode<synchronous>, transform_indices = @transform_2, window_bounds = array<i64: 1024, 1>}, {pipeline_mode = #tpu.pipeline_mode<synchronous>, transform_indices = @transform_3, window_bounds = array<i64: 1024, 1>}]} {
    %get3A = arith.constant 0 : index
    %get3A_0 = arith.constant 0 : index
    %get3A_1 = vector.load %arg1[%get3A, %get3A_0] : memref<1024x32xf32, #tpu.memory_space<vmem>>, vector<1024x32xf32>
    %get3A_2 = arith.constant 0 : index
    %get3A_3 = arith.constant 0 : index
    %get3A_4 = vector.load %arg2[%get3A_2, %get3A_3] : memref<4000x32xf32, #tpu.memory_space<vmem>>, vector<4000x32xf32>
    %dot_general3A = arith.constant dense<0.000000e+00> : vector<1024x4000xf32>
    %dot_general3A_5 = tpu.matmul %get3A_1, %get3A_4, %dot_general3A {dimension_numbers = #tpu.dot_dimension_numbers<[1], [1], [0], [0], [0, 0, 1, 0], [], []>, transpose_lhs_hint = false} : vector<1024x32xf32>, vector<4000x32xf32>, vector<1024x4000xf32> -> vector<1024x4000xf32>
    %iota3A = tpu.iota {dimensions = array<i32: 1>} : vector<1024x4000xi32>
    %sub3A = arith.constant 4095 : i32
    %sub3A_6 = vector.broadcast %sub3A : i32 to vector<1024x4000xi32>
    %sub3A_7 = arith.subi %sub3A_6, %iota3A : vector<1024x4000xi32>
    %add3A = arith.constant 6.400000e+01 : f32
    %add3A_8 = vector.broadcast %add3A : f32 to vector<1024x4000xf32>
    %add3A_9 = arith.addf %dot_general3A_5, %add3A_8 : vector<1024x4000xf32>
    %bitcast_convert_type3A = tpu.bitcast %add3A_9 : vector<1024x4000xf32> -> vector<1024x4000xi32>
    %and3A = arith.constant -4096 : i32
    %and3A_10 = vector.broadcast %and3A : i32 to vector<1024x4000xi32>
    %and3A_11 = arith.andi %bitcast_convert_type3A, %and3A_10 : vector<1024x4000xi32>
    %or3A = arith.ori %and3A_11, %sub3A_7 : vector<1024x4000xi32>
    %bitcast_convert_type3A_12 = tpu.bitcast %or3A : vector<1024x4000xi32> -> vector<1024x4000xf32>
    %reduce_max3A = arith.constant dense<0xFF800000> : vector<1024xf32>
    %reduce_max3A_13 = vector.multi_reduction <maximumf>, %bitcast_convert_type3A_12, %reduce_max3A [1] : vector<1024x4000xf32> to vector<1024xf32>
    %broadcast_in_dim3A = vector.shape_cast %reduce_max3A_13 : vector<1024xf32> to vector<1024x1xf32>
    %bitcast_convert_type3A_14 = tpu.bitcast %broadcast_in_dim3A : vector<1024x1xf32> -> vector<1024x1xi32>
    %and3A_15 = arith.constant 4095 : i32
    %and3A_16 = vector.broadcast %and3A_15 : i32 to vector<1024x1xi32>
    %and3A_17 = arith.andi %bitcast_convert_type3A_14, %and3A_16 : vector<1024x1xi32>
    %sub3A_18 = arith.constant 4095 : i32
    %sub3A_19 = vector.broadcast %sub3A_18 : i32 to vector<1024x1xi32>
    %sub3A_20 = arith.subi %sub3A_19, %and3A_17 : vector<1024x1xi32>
    %mul3A = arith.constant 4000 : i32
    %mul3A_21 = arith.muli %arg0, %mul3A : i32
    %add3A_22 = vector.broadcast %mul3A_21 : i32 to vector<1024x1xi32>
    %add3A_23 = arith.addi %sub3A_20, %add3A_22 : vector<1024x1xi32>
    %eq3A = arith.constant 0 : i32
    %eq3A_24 = arith.cmpi eq, %arg0, %eq3A : i32
    %convert_element_type3A = arith.extui %eq3A_24 : i1 to i32
    %cond3A = arith.constant 0 : i32
    %cond3A_25 = arith.cmpi ne, %convert_element_type3A, %cond3A : i32
    scf.if %cond3A_25 {
      %swap3A = arith.constant 0 : index
      %swap3A_30 = arith.constant 0 : index
      %swap3A_31 = vector.load %arg3[%swap3A, %swap3A_30] : memref<1024x1xf32, #tpu.memory_space<vmem>>, vector<1024x1xf32>
      tpu.vector_store %arg3[%swap3A, %swap3A_30], %broadcast_in_dim3A {strides = array<i32>} : memref<1024x1xf32, #tpu.memory_space<vmem>>, vector<1024x1xf32>,
      %swap3A_32 = arith.constant 0 : index
      %swap3A_33 = arith.constant 0 : index
      %swap3A_34 = vector.load %arg4[%swap3A_32, %swap3A_33] : memref<1024x1xi32, #tpu.memory_space<vmem>>, vector<1024x1xi32>
      tpu.vector_store %arg4[%swap3A_32, %swap3A_33], %add3A_23 {strides = array<i32>} : memref<1024x1xi32, #tpu.memory_space<vmem>>, vector<1024x1xi32>,
    } else {
    }
    %ne3A = arith.constant 0 : i32
    %ne3A_26 = arith.cmpi ne, %arg0, %ne3A : i32
    %convert_element_type3A_27 = arith.extui %ne3A_26 : i1 to i32
    %cond3A_28 = arith.constant 0 : i32
    %cond3A_29 = arith.cmpi ne, %convert_element_type3A_27, %cond3A_28 : i32
    scf.if %cond3A_29 {
      %get3A_30 = arith.constant 0 : index
      %get3A_31 = arith.constant 0 : index
      %get3A_32 = vector.load %arg3[%get3A_30, %get3A_31] : memref<1024x1xf32, #tpu.memory_space<vmem>>, vector<1024x1xf32>
      %gt3A = arith.cmpf ogt, %broadcast_in_dim3A, %get3A_32 : vector<1024x1xf32>
      %select_n3A = arith.select %gt3A, %broadcast_in_dim3A, %get3A_32 : vector<1024x1xi1>, vector<1024x1xf32>
      %swap3A = arith.constant 0 : index
      %swap3A_33 = arith.constant 0 : index
      %swap3A_34 = vector.load %arg3[%swap3A, %swap3A_33] : memref<1024x1xf32, #tpu.memory_space<vmem>>, vector<1024x1xf32>
      tpu.vector_store %arg3[%swap3A, %swap3A_33], %select_n3A {strides = array<i32>} : memref<1024x1xf32, #tpu.memory_space<vmem>>, vector<1024x1xf32>,
      %get3A_35 = arith.constant 0 : index
      %get3A_36 = arith.constant 0 : index
      %get3A_37 = vector.load %arg4[%get3A_35, %get3A_36] : memref<1024x1xi32, #tpu.memory_space<vmem>>, vector<1024x1xi32>
      %select_n3A_38 = arith.select %gt3A, %add3A_23, %get3A_37 : vector<1024x1xi1>, vector<1024x1xi32>
      %swap3A_39 = arith.constant 0 : index
      %swap3A_40 = arith.constant 0 : index
      %swap3A_41 = vector.load %arg4[%swap3A_39, %swap3A_40] : memref<1024x1xi32, #tpu.memory_space<vmem>>, vector<1024x1xi32>
      tpu.vector_store %arg4[%swap3A_39, %swap3A_40], %select_n3A_38 {strides = array<i32>} : memref<1024x1xi32, #tpu.memory_space<vmem>>, vector<1024x1xi32>,
    } else {
    }
    return
  }
  func.func @transform_0(%arg0: i32) -> (i32, i32) {
    %c0_i32 = arith.constant 0 : i32
    %c0_i32_0 = arith.constant 0 : i32
    %c0_i32_1 = arith.constant 0 : i32
    return %c0_i32, %c0_i32_0 : i32, i32
  }
  func.func @transform_1(%arg0: i32) -> (i32, i32) {
    %c0_i32 = arith.constant 0 : i32
    %c0_i32_0 = arith.constant 0 : i32
    return %arg0, %c0_i32 : i32, i32
  }
  func.func @transform_2(%arg0: i32) -> (i32, i32) {
    %c0_i32 = arith.constant 0 : i32
    %c0_i32_0 = arith.constant 0 : i32
    %c0_i32_1 = arith.constant 0 : i32
    return %c0_i32, %c0_i32_0 : i32, i32
  }
  func.func @transform_3(%arg0: i32) -> (i32, i32) {
    %c0_i32 = arith.constant 0 : i32
    %c0_i32_0 = arith.constant 0 : i32
    %c0_i32_1 = arith.constant 0 : i32
    return %c0_i32, %c0_i32_0 : i32, i32
  }
}

</mosaic_0001>

<sc_bundles>
// kernel: kernel.4.cloned.1.call-start
scs
__scs_entry_jumppad:
0x0: {  	(pc) =	sbr.rel $0x88, $3  }
0x1: {  	(tag) =	ssettag $0x0;
	lr =	simm.s32 $0x1  }
0x2: {  	[smem:$0x3F9F] =	sst lr;
	_ =	strace $0xD0000000  }
0x3: {  	_ = 	snop  }
0x4: {  	_ = 	snop  }
0x5: {  	_ = 	snop  }
0x6: {  	_ = 	snop  }
0x7: {  	_ = 	snop  }
__scs_overlays_trampoline_lowered:
0x8: {  	[smem:$0x3FAE] =	sst s0  }
0x9: {  	[smem:$0x3FAF] =	sst s1  }
0xa: {  	[smem:$0x3FB0] =	sst s2  }
0xb: {  	[smem:$0x3FB1] =	sst s3  }
0xc: {  	[smem:$0x3FB2] =	sst s4  }
0xd: {  	[smem:$0x3FB3] =	sst s5  }
0xe: {  	[smem:$0x3FB4] =	sst s6  }
0xf: {  	[smem:$0x3FB5] =	sst s7  }
0x10: {  	[smem:$0x3FB6] =	sst s8  }
0x11: {  	[smem:$0x3FB7] =	sst s9;
	s0 =	simm.s32 @!p0 $0x0  }
0x12: {  	s1 =	sld [smem:$0x3F9D];
	s0 =	simm.s32 @p0 $0x1  }
0x13: {  	[smem:$0x3FB8] =	sst s0;
	s0 =	simm.s32 @!p1 $0x0  }
0x14: {  	s2 =	sld [smem:$0x3F9C];
	s0 =	simm.s32 @p1 $0x1  }
0x15: {  	[smem:$0x3FB9] =	sst s0;
	s0 =	simm.s32 @!p2 $0x0  }
0x16: {  	s3 =	sld [smem:$0x3FDB];
	s0 =	simm.s32 @p2 $0x1  }
0x17: {  	s4 =	simm.s32 $0x1BF5;
	[smem:$0x3FBB] =	sst s0  }
0x18: {  	s0 =	sld [smem:$0x3F9E];
	_ =	swait.ge [sflag:s4], $0x0  }
0x19: {  	s7 =	sld [smem:$0x3F9F]  }
0x1a: {  	s8 =	sadd.s32 $0xFFFFE003, lr  }
0x1b: {  	s9 =	sadd.s32 $0xFFFFFEF7, lr;
	s5 =	simm.s32 $0xFFFFFFFF;
	p2 =	slt.u32 s8, $0xFFFFF086  }
0x1c: {  	p1 =	slt.u32 s9, $0xF7A;
	s5 =	simm.s32 @!p2 $0x0  }
0x1d: {  	s5 =	simm.s32 @p1 $0x1;
	p0 =	seq.s32 s7, s2  }
0x1e: {  	s7 =	smul.u32 @!p0 $0xF7A, s2;
	p2 =	seq.s32 @!p0 s5, $0x0  }
0x1f: {  	s9 =	smul.u32 $0xF7A, s1;
	s8 =	simm.s32 @!p0 $0x1BF5;
	p2 =	por !p2, p0  }
0x20: {  	[sflag:s8] =	ssyncset.s32 @!p0 $0xFFFFF086;
	s6 =	sadd.s32 @!p0 s3, s7;
	s7 =	simm.s32 @!p0 $0x108  }
0x21: {  	s3 =	sadd.s32 s3, s9;
	s6 =	sadd.s32 @!p0 $0x88, s6;
	s7 =	simm.s32 @p2 $0x1082  }
0x22: {  	[simem:s7], [sflag:s8] =	dma.local @!p0 [hbm:s6], $0xF7A  }
0x23: {  	s9 =	sor.u32 $0xD0000000, s2;
	s6 =	simm.s32 $0x108;
	_ =	swait.ge @!p0 [sflag:s8], $0x0  }
0x24: {  	s3 =	sadd.s32 $0x88, s3;
	s6 =	simm.s32 @!p1 $0x1082;
	[sflag:s4] =	ssyncset.s32 $0xFFFFF086  }
0x25: {  	[simem:s6], [sflag:s4] =	dma.local [hbm:s3], $0xF7A  }
0x26: {  	[smem:$0x3F9F] =	sst s1;
	(tag) =	ssettag s2;
	_ =	strace s9  }
0x27: {  	s1 =	sld [smem:$0x3FAF]  }
0x28: {  	s2 =	sld [smem:$0x3FB0]  }
0x29: {  	s4 =	sld [smem:$0x3FB2]  }
0x2a: {  	p0 =	seq.s32 s5, $0x0;
	s5 =	sld [smem:$0x3FB3]  }
0x2b: {  	s6 =	sld [smem:$0x3FB4]  }
0x2c: {  	s7 =	sld [smem:$0x3FB5]  }
0x2d: {  	s3 =	simm.s32 $0x108;
	s8 =	sld [smem:$0x3FB6]  }
0x2e: {  	s3 =	simm.s32 @!p0 $0x1082;
	s9 =	sld [smem:$0x3FB7]  }
0x2f: {  	lr =	sadd.s32 s0, s3;
	s0 =	sld [smem:$0x3FAE]  }
0x30: {  	s3 =	sld [smem:$0x3FB1]  }
0x31: {  	[smem:$0x3FBA] =	sst s10  }
0x32: {  	s10 =	sld [smem:$0x3FB8];
	_ =	sdelay $0x3  }
0x33: {  	p0 =	seq.s32 s10, $0x1;
	s10 =	sld [smem:$0x3FBA];
	_ =	sdelay $0x3  }
0x34: {  	[smem:$0x3FBA] =	sst s10  }
0x35: {  	s10 =	sld [smem:$0x3FB9];
	_ =	sdelay $0x3  }
0x36: {  	p1 =	seq.s32 s10, $0x1;
	s10 =	sld [smem:$0x3FBA];
	_ =	sdelay $0x3  }
0x37: {  	[smem:$0x3FBA] =	sst s10  }
0x38: {  	s10 =	sld [smem:$0x3FBB]  }
0x39: {  	_ = 	snop;
	(pc) =	sbr.ind lr, $3  }
0x3a: {  	_ = 	snop  }
0x3b: {  	_ = 	snop  }
0x3c: {  	p2 =	seq.s32 s10, $0x1;
	s10 =	sld [smem:$0x3FBA]  }
0x3d: {  	_ =	shalt  }
0x3e: {  	_ =	shalt  }
0x3f: {  	_ =	shalt  }
0x40: {  	_ =	shalt  }
0x41: {  	_ =	shalt  }
0x42: {  	_ =	shalt  }
0x43: {  	_ =	shalt  }
0x44: {  	_ =	shalt  }
0x45: {  	_ =	shalt  }
0x46: {  	_ =	shalt  }
0x47: {  	_ =	shalt  }
0x48: {  	_ =	shalt  }
0x49: {  	_ =	shalt  }
0x4a: {  	_ =	shalt  }
0x4b: {  	_ =	shalt  }
0x4c: {  	_ =	shalt  }
0x4d: {  	_ =	shalt  }
0x4e: {  	_ =	shalt  }
0x4f: {  	_ =	shalt  }
0x50: {  	_ =	shalt  }
0x51: {  	_ =	shalt  }
0x52: {  	_ =	shalt  }
0x53: {  	_ =	shalt  }
0x54: {  	_ =	shalt  }
0x55: {  	_ =	shalt  }
0x56: {  	_ =	shalt  }
0x57: {  	_ =	shalt  }
0x58: {  	_ =	shalt  }
0x59: {  	_ =	shalt  }
0x5a: {  	_ =	shalt  }
0x5b: {  	_ =	shalt  }
0x5c: {  	_ =	shalt  }
0x5d: {  	_ =	shalt  }
0x5e: {  	_ =	shalt  }
0x5f: {  	_ =	shalt  }
0x60: {  	_ =	shalt  }
0x61: {  	_ =	shalt  }
0x62: {  	_ =	shalt  }
0x63: {  	_ =	shalt  }
0x64: {  	_ =	shalt  }
0x65: {  	_ =	shalt  }
0x66: {  	_ =	shalt  }
0x67: {  	_ =	shalt  }
0x68: {  	_ =	shalt  }
0x69: {  	_ =	shalt  }
0x6a: {  	_ =	shalt  }
0x6b: {  	_ =	shalt  }
0x6c: {  	_ =	shalt  }
0x6d: {  	_ =	shalt  }
0x6e: {  	_ =	shalt  }
0x6f: {  	_ =	shalt  }
0x70: {  	_ =	shalt  }
0x71: {  	_ =	shalt  }
0x72: {  	_ =	shalt  }
0x73: {  	_ =	shalt  }
0x74: {  	_ =	shalt  }
0x75: {  	_ =	shalt  }
0x76: {  	_ =	shalt  }
0x77: {  	_ =	shalt  }
0x78: {  	_ =	shalt  }
0x79: {  	_ =	shalt  }
0x7a: {  	_ =	shalt  }
0x7b: {  	_ =	shalt  }
0x7c: {  	_ =	shalt  }
0x7d: {  	_ =	shalt  }
0x7e: {  	_ =	shalt  }
0x7f: {  	_ =	shalt  }
0x80: {  	_ =	shalt  }
0x81: {  	_ =	shalt  }
0x82: {  	_ =	shalt  }
0x83: {  	_ =	shalt  }
0x84: {  	_ =	shalt  }
0x85: {  	_ =	shalt  }
0x86: {  	_ =	shalt  }
0x87: {  	_ =	shalt  }
.Lfunc_end0:
.L_simem_size_0:
called_computation_lowered:
.L_overlay_start_0:
0x88: {  	s2 =	sld [smem:$0x3FD9]  }
0x89: {  	s3 =	sld [smem:$0x3FFE];
	_ =	sdelay $0x1  }
0x8a: {  	s1 =	srdreg.scid  }
0x8b: {  	s0 =	sand.u32 $0x1, s1  }
0x8c: {  	s16 =	sshll.u32 s0, $0xA;
	s2 =	sadd.s32 s3, s2  }
0x8d: {  	s2 =	sadd.s32 s2, s16  }
0x8e: {  	[smem:$0x3FC6] =	sst s2  }
0x8f: {  	_ = 	snop  }
0x90: {  	(tm) =	ssettm $0x1  }
0x91: {  	s17 =	sld [smem:$0x3FFB];
	_ =	sdelay $0x3  }
0x92: {  	_ =	strace s17  }
0x93: {  	s2 =	sld [smem:$0x3FFC];
	_ =	sdelay $0x3  }
0x94: {  	_ =	strace s2  }
0x95: {  	s2 =	sld [smem:$0x3FFD];
	_ =	sdelay $0x3  }
0x96: {  	_ =	strace s2  }
0x97: {  	_ =	strace $0x8FFFFFFF  }
0x98: {  	s18 =	sld [smem:$0x3FDB];
	_ =	sdelay $0x1  }
0x99: {  	s19 =	simm.s32 $_scs_section_size  }
0x9a: {  	s4 =	simm.s32 $_size__tile_overlayer_lowered;
	s5 =	simm.s32 $_tile_overlayer_lowered  }
0x9b: {  	s22 =	simm.s32 $0x1BFF;
	s21 =	sshll.u32 s5, $0x1;
	s2 =	sadd.s32 s19, s18  }
0x9c: {  	s6 =	simm.s32 $0x0;
	s20 =	sshll.u32 s4, $0x1;
	s4 =	sadd.s32 s21, s2  }
0x9d: {  	[timem:s6], [sflag:s22] =	dma.local [hbm:s4], s20  }
0x9e: {  	_ =	swait.ge [sflag:s22], s20  }
0x9f: {  	s3 =	ssub.s32 $0x0, s20;
	[sflag:s22] =	ssyncset.done $0x0  }
0xa0: {  	[sflag:s22] =	ssyncadd.s32 s3;
	_ =	sdelay $0x1  }
0xa1: {  	s23 =	simm.s32 $0x1B8B  }
0xa2: {  	_ =	swait.ge [sflag:s23], $0x1  }
0xa3: {  	[sflag:s23] =	ssyncset.done $0x0  }
0xa4: {  	s25 =	simm.s32 $0x1B8E;
	s24 =	sld [smem:$0x3FFE];
	[sflag:s23] =	ssyncadd.s32 $0xFFFFFFFF  }
0xa5: {  	s26 =	simm.s32 $execute0_lowered;
	[smem:$0x3FD2] =	sst s25  }
0xa6: {  	s4 =	sshll.u32 s26, $0x1;
	_ =	strace $0x80000046;
	[dreg:$0x1] =	wrdreg $0xFFFFFFFF  }
0xa7: {  	s28 =	simm.s32 $_size_execute0_lowered;
	s2 =	sadd.s32 s2, s4;
	[dreg:$0x0] =	wrdreg $0x0  }
0xa8: {  	s4 =	sshll.u32 s28, $0x1;
	[dreg:$0x2] =	wrdreg s2  }
0xa9: {  	[dreg:$0x3] =	wrdreg s4  }
0xaa: {  	[dreg:$0x4] =	wrdreg $0xC0  }
0xab: {  	_ =	task [dreg:s6], $0x5FFFF  }
0xac: {  	[dreg:$0x1] =	wrdreg $0xFFFFFFFF  }
0xad: {  	[dreg:$0x0] =	wrdreg $0x60  }
0xae: {  	[dreg:$0x2] =	wrdreg s24  }
0xaf: {  	[dreg:$0x3] =	wrdreg $0x9  }
0xb0: {  	_ =	task.clear_ibuf [dreg:s6], $0x4FFFF;
	_ =	strace $0x90000046  }
0xb1: {  	s29 =	simm.s32 $0x9;
	_ =	strace $0x80000048  }
0xb2: {  	_ =	swait.ge [sflag:s29], $0x1  }
0xb3: {  	[sflag:s29] =	ssyncadd.s32 $0xFFFFFFFF  }
0xb4: {  	_ =	strace $0x90000048  }
0xb5: {  	_ =	sfence  }
0xb6: {  	s30 =	sld [smem:$0x0];
	_ =	sdelay $0x2  }
0xb7: {  	s31 =	sshll.u32 s1, $0xD;
	s1 =	sshrl.u32 s1, $0x2  }
0xb8: {  	s3 =	sand.u32 $0x4000, s31;
	s1 =	sadd.s32 s1, s30  }
0xb9: {  	s0 =	sor.u32 s3, s0;
	s1 =	sshll.u32 s1, $0x11  }
0xba: {  	s0 =	sor.u32 s1, s0  }
0xbb: {  	s0 =	sadd.s32 $0x8F2B, s0  }
0xbc: {  	[sflag:s0] =	ssyncadd.remote.s32 $0x1  }
0xbd: {  	_ =	sfence.sel $0xFFFF  }
0xbe: {  	[dreg:$0x0] =	wrdreg $0xFFFFFFFF;
	(pc) =	sbr.abs _section_cstart, $3  }
0xbf: {  	[dreg:$0x1] =	wrdreg $0xFFFFFFFF  }
0xc0: {  	_ =	task.clear_ibuf [dreg:s6], $0x2FFFF;
	_ =	strace $0x9FFFFFFF  }
0xc1: {  	(tm) =	ssettm $0x7FFFFFFF  }
tec
execute0_lowered:
.L_overlay_start_1:
0x0: {  	(tag) =	ssettag $0x1  }
0x1: {  	v1 =	vlaneseq.u32  }
0x2: {  	v0 =	vmul.u32 $0x80, v1  }
0x3: {  	v1 =	vmul.u32 $0x20, v1  }
0x4: {  	v2 =	vor.u32 $0x1, v0  }
0x5: {  	v16 =	vor.u32 $0x8, v0;
	v17 =	vor.u32 $0x8, v1;
	v18 =	vor.u32 $0x9, v0  }
0x6: {  	v19 =	vor.u32 $0x9, v1;
	v20 =	vor.u32 $0xA, v0;
	v21 =	vor.u32 $0xA, v1  }
0x7: {  	v22 =	vor.u32 $0xB, v0;
	v23 =	vor.u32 $0xB, v1;
	v24 =	vor.u32 $0xC, v0  }
0x8: {  	v25 =	vor.u32 $0xC, v1;
	v26 =	vor.u32 $0xD, v0;
	v27 =	vor.u32 $0xD, v1  }
0x9: {  	v28 =	vor.u32 $0xE, v0;
	v29 =	vor.u32 $0xE, v1;
	v30 =	vor.u32 $0xF, v0  }
0xa: {  	v31 =	vor.u32 $0xF, v1;
	v32 =	vor.u32 $0x10, v0;
	[tilespmem:$0x1FF20] =	vst v2;
	v2 =	vor.u32 $0x1, v1  }
0xb: {  	v33 =	vor.u32 $0x10, v1;
	v34 =	vor.u32 $0x11, v0;
	[tilespmem:$0x1FF30] =	vst v2;
	v2 =	vor.u32 $0x2, v0  }
0xc: {  	v35 =	vor.u32 $0x11, v1;
	v36 =	vor.u32 $0x12, v0;
	[tilespmem:$0x1FF40] =	vst v2;
	v2 =	vor.u32 $0x2, v1  }
0xd: {  	v37 =	vor.u32 $0x12, v1;
	v38 =	vor.u32 $0x13, v0;
	[tilespmem:$0x1FF50] =	vst v2;
	v2 =	vor.u32 $0x3, v0  }
0xe: {  	s5 =	rddreg [dreg:$0x0];
	v39 =	vor.u32 $0x13, v1;
	v40 =	vor.u32 $0x14, v0;
	[tilespmem:$0x1FF60] =	vst v2;
	v2 =	vor.u32 $0x3, v1  }
0xf: {  	s0 =	rddreg [dreg:$0x1];
	v41 =	vor.u32 $0x14, v1;
	v42 =	vor.u32 $0x15, v0;
	[tilespmem:$0x1FF70] =	vst v2;
	v2 =	vor.u32 $0x4, v0  }
0x10: {  	s2 =	simm.s32 $0x0;
	s3 =	srdreg.scid;
	s1 =	stileid.u32;
	v43 =	vor.u32 $0x15, v1;
	v44 =	vor.u32 $0x16, v0;
	[tilespmem:$0x1FF80] =	vst v2;
	v2 =	vor.u32 $0x4, v1  }
0x11: {  	s10 =	simm.s32 $0x40;
	s11 =	simm.s32 $0x1;
	s12 =	simm.s32 $0x1040;
	v45 =	vor.u32 $0x16, v1;
	v46 =	vor.u32 $0x17, v0;
	[tilespmem:$0x1FF90] =	vst v2;
	v2 =	vor.u32 $0x5, v0  }
0x12: {  	s13 =	simm.s32 $0x1440;
	s4 =	sand.u32 $0x1, s3;
	s6 =	sshll.u32 s1, $0x1;
	v47 =	vor.u32 $0x17, v1;
	v48 =	vor.u32 $0x18, v0;
	[tilespmem:$0x1FFA0] =	vst v2;
	v2 =	vor.u32 $0x5, v1  }
0x13: {  	[smem:$0x7FF] =	sst s2;
	s3 =	sadd.s32 $0x186A00, s5;
	s6 =	sor.u32 s4, s6;
	v49 =	vor.u32 $0x18, v1;
	v50 =	vor.u32 $0x19, v0;
	[tilespmem:$0x1FFB0] =	vst v2;
	v2 =	vor.u32 $0x6, v0  }
0x14: {  	s4 =	ssub.s32 $0x2, s4;
	s7 =	sshll.u32 s6, $0x2;
	s8 =	sshll.u32 s6, $0x1;
	v51 =	vor.u32 $0x19, v1;
	v52 =	vor.u32 $0x1A, v0;
	[tilespmem:$0x1FFC0] =	vst v2;
	v2 =	vor.u32 $0x6, v1  }
0x15: {  	s9 =	sshrl.u32 s4, $0x1;
	s6 =	sshll.u32 s6, $0x7;
	v53 =	vor.u32 $0x1A, v1;
	v54 =	vor.u32 $0x1B, v0;
	s7 =	sadd.s32 s7, s5;
	[tilespmem:$0x1FFD0] =	vst v2;
	v2 =	vor.u32 $0x7, v0  }
0x16: {  	v55 =	vor.u32 $0x1B, v1;
	v56 =	vor.u32 $0x1C, v0;
	s8 =	sadd.s32 s8, s5;
	s9 =	ssub.s32 s4, s9;
	s5 =	sadd.s32 s5, s6;
	[tilespmem:$0x1FFE0] =	vst v2;
	v2 =	vor.u32 $0x7, v1  }
0x17: {  	v57 =	vor.u32 $0x1C, v1;
	v58 =	vor.u32 $0x1D, v0;
	v59 =	vor.u32 $0x1D, v1;
	s4 =	sadd.s32 $0x1000, s7;
	s6 =	sadd.s32 $0x1200, s8;
	s7 =	smax.u32 s9, $0x1;
	[tilespmem:$0x1FFF0] =	vst v2  }
0x18: {  	v60 =	vor.u32 $0x1E, v0;
	v61 =	vor.u32 $0x1E, v1;
	v62 =	vor.u32 $0x1F, v0;
	s8 =	simm.s32 $0x2;
	s9 =	simm.s32 $0x20;
	_ =	strace $0x80000047  }
.LBB2_1:
0x19: {  	[tilespmem:s2], [sflag:$0x2] =	stream.linear.gather [hbm4b:s4+s2], $0x20, $0x38;
	[tilespmem:$0x1450] =	vst v63  }
0x1a: {  	_ =	swait.ge [sflag:s8], $0x20  }
0x1b: {  	[sflag:s8] =	ssyncset.done $0x0  }
0x1c: {  	[sflag:s8] =	ssyncadd.s32 $0xFFFFFFE0  }
0x1d: {  	v63 =	vld [tilespmem:$0x0]  }
0x1e: {  	v2 =	vld [tilespmem:$0x10];
	_ =	sdelay $0x3  }
0x1f: {  	v63 =	vshra.s32 v63, $0x2  }
0x20: {  	v2 =	vshra.s32 v2, $0x2;
	[tilespmem:$0x20] =	vst v63  }
0x21: {  	[tilespmem:$0x30] =	vst v2  }
0x22: {  	[tilespmem:s10], [sflag:$0x1] =	stream.indirect.gather [hbm4b:s3+s9], $0x80, s9, s9, $0xb8;
	[tilespmem:$0x1450] =	vst v63  }
0x23: {  	_ =	swait.ge [sflag:s11], $0x1000  }
0x24: {  	[sflag:s11] =	ssyncset.done $0x0  }
0x25: {  	[sflag:s11] =	ssyncadd.s32 $0xFFFFF000  }
0x26: {  	[tilespmem:s12], [sflag:$0x2] =	stream.linear.gather [hbm4b:s5+s2], $0x400, $0x38;
	[tilespmem:$0x1450] =	vst v63  }
0x27: {  	_ =	swait.ge [sflag:s8], $0x400  }
0x28: {  	[sflag:s8] =	ssyncset.done $0x0  }
0x29: {  	[sflag:s8] =	ssyncadd.s32 $0xFFFFFC00  }
0x2a: {  	v2 =	vld [tilespmem:$0x0];
	_ =	sdelay $0x1  }
0x2b: {  	v3 =	vld [tilespmem:$0x1FF20]  }
0x2c: {  	v4 =	vld [tilespmem:$0x1FF40]  }
0x2d: {  	v6 =	vld [tilespmem:$0x1FF60]  }
0x2e: {  	v7 =	vld [tilespmem:$0x1FF30];
	v2 =	vshll.u32 v2, $0x5  }
0x2f: {  	v8 =	vld [tilespmem:$0x1FF80];
	v63 =	vand.u32 $0x60, v2  }
0x30: {  	v9 =	vld [tilespmem:$0x1FF50];
	v2 =	vor.u32 v0, v63  }
0x31: {  	v10 =	vld [tilespmem:$0x1FFA0]  }
0x32: {  	v12 =	vld [tilespmem:$0x1FF70]  }
0x33: {  	v13 =	vld [tilespmem:$0x1FFC0]  }
0x34: {  	v5 =	vld.idx.msk [tilespmem:v1+s12+$0x0], $0xffff;
	v4 =	vor.u32 v4, v63  }
0x35: {  	v2 =	vld.idx.msk [tilespmem:v2+s10+$0x0], $0xffff  }
0x36: {  	v14 =	vld [tilespmem:$0x1FF90]  }
0x37: {  	v11 =	vld [tilespmem:$0x1FFE0]  }
0x38: {  	v9 =	vld.idx.msk [tilespmem:v9+s12+$0x0], $0xffff;
	v3 =	vor.u32 v3, v63  }
0x39: {  	v6 =	vor.u32 v6, v63;
	v4 =	vld.idx.msk [tilespmem:v4+s10+$0x0], $0xffff  }
0x3a: {  	v2 =	vsub.f32 v5, v2;
	v5 =	vld.idx.msk [tilespmem:v12+s12+$0x0], $0xffff  }
0x3b: {  	v12 =	vld [tilespmem:$0x1FFB0]  }
0x3c: {  	v7 =	vld.idx.msk [tilespmem:v7+s12+$0x0], $0xffff  }
0x3d: {  	v8 =	vor.u32 v8, v63;
	v3 =	vld.idx.msk [tilespmem:v3+s10+$0x0], $0xffff  }
0x3e: {  	v6 =	vld.idx.msk [tilespmem:v6+s10+$0x0], $0xffff  }
0x3f: {  	v4 =	vsub.f32 v9, v4;
	v9 =	vld.idx.msk [tilespmem:v14+s12+$0x0], $0xffff  }
0x40: {  	v14 =	vld [tilespmem:$0x1FFD0]  }
0x41: {  	v10 =	vor.u32 v10, v63  }
0x42: {  	v8 =	vld.idx.msk [tilespmem:v8+s10+$0x0], $0xffff;
	v3 =	vsub.f32 v7, v3;
	v7 =	vor.u32 v13, v63  }
0x43: {  	v5 =	vsub.f32 v5, v6;
	v6 =	vld.idx.msk [tilespmem:v12+s12+$0x0], $0xffff  }
0x44: {  	v11 =	vor.u32 v11, v63;
	v2 =	vmul.f32 v2, v2;
	v3 =	vmul.f32 v3, v3;
	v12 =	vld [tilespmem:$0x1FFF0];
	_ =	sdelay $0x1  }
0x45: {  	v4 =	vmul.f32 v4, v4;
	v2 =	vadd.f32 v3, v2;
	v3 =	vld.idx.msk [tilespmem:v10+s10+$0x0], $0xffff;
	v10 =	vor.u32 v16, v63  }
0x46: {  	v7 =	vld.idx.msk [tilespmem:v7+s10+$0x0], $0xffff  }
0x47: {  	v8 =	vsub.f32 v9, v8;
	v2 =	vadd.f32 v4, v2;
	v13 =	vmul.f32 v5, v5;
	v5 =	vld.idx.msk [tilespmem:v14+s12+$0x0], $0xffff  }
0x48: {  	v9 =	vld.idx.msk [tilespmem:v11+s10+$0x0], $0xffff;
	v11 =	vor.u32 v18, v63  }
0x49: {  	v8 =	vmul.f32 v8, v8;
	v2 =	vadd.f32 v13, v2  }
0x4a: {  	v3 =	vsub.f32 v6, v3;
	v6 =	vld.idx.msk [tilespmem:v10+s10+$0x0], $0xffff  }
0x4b: {  	v2 =	vadd.f32 v8, v2;
	v4 =	vld.idx.msk [tilespmem:v12+s12+$0x0], $0xffff  }
0x4c: {  	v10 =	vor.u32 v20, v63;
	v5 =	vsub.f32 v5, v7;
	v3 =	vmul.f32 v3, v3;
	v12 =	vld.idx.msk [tilespmem:v17+s12+$0x0], $0xffff  }
0x4d: {  	v7 =	vld.idx.msk [tilespmem:v11+s10+$0x0], $0xffff  }
0x4e: {  	v2 =	vadd.f32 v3, v2;
	v3 =	vmul.f32 v5, v5;
	v5 =	vld.idx.msk [tilespmem:v19+s12+$0x0], $0xffff  }
0x4f: {  	v8 =	vor.u32 v22, v63  }
0x50: {  	v14 =	vld.idx.msk [tilespmem:v21+s12+$0x0], $0xffff  }
0x51: {  	v4 =	vsub.f32 v4, v9;
	v9 =	vld.idx.msk [tilespmem:v10+s10+$0x0], $0xffff;
	v13 =	vsub.f32 v12, v6;
	v12 =	vor.u32 v26, v63  }
0x52: {  	v10 =	vor.u32 v24, v63  }
0x53: {  	v2 =	vadd.f32 v3, v2;
	v5 =	vsub.f32 v5, v7;
	v7 =	vld.idx.msk [tilespmem:v23+s12+$0x0], $0xffff;
	v3 =	vmul.f32 v4, v4  }
0x54: {  	v4 =	vld.idx.msk [tilespmem:v8+s10+$0x0], $0xffff;
	v8 =	vor.u32 v28, v63  }
0x55: {  	v2 =	vadd.f32 v3, v2;
	v3 =	vmul.f32 v13, v13;
	v13 =	vld.idx.msk [tilespmem:v25+s12+$0x0], $0xffff  }
0x56: {  	v6 =	vsub.f32 v14, v9;
	v14 =	vor.u32 v30, v63;
	v11 =	vld.idx.msk [tilespmem:v12+s10+$0x0], $0xffff  }
0x57: {  	v5 =	vmul.f32 v5, v5;
	v2 =	vadd.f32 v3, v2;
	v3 =	vld.idx.msk [tilespmem:v10+s10+$0x0], $0xffff  }
0x58: {  	v12 =	vmul.f32 v6, v6;
	v6 =	vld.idx.msk [tilespmem:v27+s12+$0x0], $0xffff  }
0x59: {  	v4 =	vsub.f32 v7, v4;
	v7 =	vld.idx.msk [tilespmem:v8+s10+$0x0], $0xffff;
	v8 =	vor.u32 v32, v63;
	v2 =	vadd.f32 v5, v2  }
0x5a: {  	v5 =	vld.idx.msk [tilespmem:v29+s12+$0x0], $0xffff  }
0x5b: {  	v4 =	vmul.f32 v4, v4;
	v2 =	vadd.f32 v12, v2;
	v9 =	vld.idx.msk [tilespmem:v14+s10+$0x0], $0xffff  }
0x5c: {  	v10 =	vor.u32 v34, v63;
	v12 =	vld.idx.msk [tilespmem:v31+s12+$0x0], $0xffff;
	v3 =	vsub.f32 v13, v3  }
0x5d: {  	v2 =	vadd.f32 v4, v2  }
0x5e: {  	v13 =	vsub.f32 v6, v11;
	v6 =	vld.idx.msk [tilespmem:v8+s10+$0x0], $0xffff;
	v8 =	vor.u32 v36, v63;
	v3 =	vmul.f32 v3, v3  }
0x5f: {  	v14 =	vsub.f32 v5, v7;
	v5 =	vld.idx.msk [tilespmem:v33+s12+$0x0], $0xffff  }
0x60: {  	v2 =	vadd.f32 v3, v2;
	v3 =	vmul.f32 v13, v13  }
0x61: {  	v7 =	vld.idx.msk [tilespmem:v10+s10+$0x0], $0xffff;
	v13 =	vsub.f32 v12, v9  }
0x62: {  	v12 =	vor.u32 v40, v63;
	v2 =	vadd.f32 v3, v2;
	v3 =	vmul.f32 v14, v14;
	v14 =	vld.idx.msk [tilespmem:v35+s12+$0x0], $0xffff  }
0x63: {  	v10 =	vor.u32 v38, v63;
	v4 =	vld.idx.msk [tilespmem:v8+s10+$0x0], $0xffff  }
0x64: {  	v8 =	vor.u32 v42, v63;
	v5 =	vsub.f32 v5, v6;
	v6 =	vld.idx.msk [tilespmem:v37+s12+$0x0], $0xffff;
	_ =	sdelay $0x1  }
0x65: {  	v2 =	vadd.f32 v3, v2;
	v3 =	vmul.f32 v13, v13;
	v13 =	vld.idx.msk [tilespmem:v39+s12+$0x0], $0xffff  }
0x66: {  	v11 =	vld.idx.msk [tilespmem:v12+s10+$0x0], $0xffff  }
0x67: {  	v5 =	vmul.f32 v5, v5;
	v2 =	vadd.f32 v3, v2;
	v3 =	vld.idx.msk [tilespmem:v10+s10+$0x0], $0xffff;
	v7 =	vsub.f32 v14, v7  }
0x68: {  	v14 =	vor.u32 v44, v63;
	v4 =	vsub.f32 v6, v4;
	v6 =	vld.idx.msk [tilespmem:v8+s10+$0x0], $0xffff  }
0x69: {  	v2 =	vadd.f32 v5, v2;
	v8 =	vor.u32 v46, v63;
	v12 =	vmul.f32 v7, v7;
	v7 =	vld.idx.msk [tilespmem:v41+s12+$0x0], $0xffff  }
0x6a: {  	v5 =	vld.idx.msk [tilespmem:v43+s12+$0x0], $0xffff  }
0x6b: {  	v4 =	vmul.f32 v4, v4;
	v2 =	vadd.f32 v12, v2  }
0x6c: {  	v10 =	vor.u32 v48, v63;
	v3 =	vsub.f32 v13, v3;
	v12 =	vld.idx.msk [tilespmem:v45+s12+$0x0], $0xffff  }
0x6d: {  	v9 =	vld.idx.msk [tilespmem:v14+s10+$0x0], $0xffff;
	v2 =	vadd.f32 v4, v2  }
0x6e: {  	v3 =	vmul.f32 v3, v3;
	v13 =	vsub.f32 v7, v11;
	v7 =	vld.idx.msk [tilespmem:v8+s10+$0x0], $0xffff;
	v8 =	vor.u32 v50, v63  }
0x6f: {  	v14 =	vsub.f32 v5, v6;
	v5 =	vld.idx.msk [tilespmem:v47+s12+$0x0], $0xffff  }
0x70: {  	v2 =	vadd.f32 v3, v2;
	v3 =	vmul.f32 v13, v13  }
0x71: {  	v6 =	vld.idx.msk [tilespmem:v10+s10+$0x0], $0xffff  }
0x72: {  	v10 =	vor.u32 v52, v63;
	v2 =	vadd.f32 v3, v2;
	v3 =	vmul.f32 v14, v14;
	v14 =	vld.idx.msk [tilespmem:v49+s12+$0x0], $0xffff  }
0x73: {  	v13 =	vsub.f32 v12, v9;
	v12 =	vor.u32 v54, v63;
	v4 =	vld.idx.msk [tilespmem:v8+s10+$0x0], $0xffff  }
0x74: {  	v5 =	vsub.f32 v5, v7;
	v7 =	vld.idx.msk [tilespmem:v51+s12+$0x0], $0xffff  }
0x75: {  	v2 =	vadd.f32 v3, v2;
	v3 =	vmul.f32 v13, v13  }
0x76: {  	v8 =	vld.idx.msk [tilespmem:v53+s12+$0x0], $0xffff  }
0x77: {  	v9 =	vor.u32 v56, v63;
	v2 =	vadd.f32 v3, v2;
	v3 =	vld.idx.msk [tilespmem:v10+s10+$0x0], $0xffff  }
0x78: {  	v5 =	vmul.f32 v5, v5;
	v10 =	vld.idx.msk [tilespmem:v12+s10+$0x0], $0xffff;
	v6 =	vsub.f32 v14, v6  }
0x79: {  	v14 =	vld.idx.msk [tilespmem:v55+s12+$0x0], $0xffff;
	v4 =	vsub.f32 v7, v4  }
0x7a: {  	v12 =	vor.u32 v58, v63;
	v2 =	vadd.f32 v5, v2;
	v7 =	vld [tilespmem:$0x10];
	v13 =	vmul.f32 v6, v6  }
0x7b: {  	v4 =	vmul.f32 v4, v4  }
0x7c: {  	v5 =	vld.idx.msk [tilespmem:v9+s10+$0x0], $0xffff;
	v2 =	vadd.f32 v13, v2;
	v3 =	vsub.f32 v8, v3;
	v8 =	vor.u32 v60, v63  }
0x7d: {  	v9 =	vld.idx.msk [tilespmem:v57+s12+$0x0], $0xffff  }
0x7e: {  	v11 =	vor.u32 v62, v63;
	v6 =	vsub.f32 v14, v10;
	v10 =	vld.idx.msk [tilespmem:v59+s12+$0x0], $0xffff;
	v2 =	vadd.f32 v4, v2  }
0x7f: {  	v3 =	vmul.f32 v3, v3;
	v4 =	vld.idx.msk [tilespmem:v12+s10+$0x0], $0xffff;
	v12 =	vor.u32 $0x1F, v1;
	v7 =	vshll.u32 v7, $0x5  }
0x80: {  	v13 =	vor.u32 $0x800, v0;
	v63 =	vand.u32 $0x60, v7  }
0x81: {  	v2 =	vadd.f32 v3, v2;
	v3 =	vmul.f32 v6, v6;
	v7 =	vor.u32 v13, v63;
	v6 =	vld.idx.msk [tilespmem:v8+s10+$0x0], $0xffff  }
0x82: {  	v5 =	vsub.f32 v9, v5;
	v9 =	vor.u32 $0x200, v1;
	v13 =	vor.u32 $0x801, v0;
	v8 =	vld.idx.msk [tilespmem:v61+s12+$0x0], $0xffff  }
0x83: {  	v2 =	vadd.f32 v3, v2;
	v3 =	vld.idx.msk [tilespmem:v11+s10+$0x0], $0xffff;
	v11 =	vor.u32 v13, v63  }
0x84: {  	v5 =	vmul.f32 v5, v5;
	v4 =	vsub.f32 v10, v4;
	v10 =	vld.idx.msk [tilespmem:v12+s12+$0x0], $0xffff;
	v12 =	vor.u32 $0x201, v1  }
0x85: {  	v13 =	vor.u32 $0x802, v0  }
0x86: {  	v2 =	vadd.f32 v5, v2;
	v4 =	vmul.f32 v4, v4;
	v5 =	vld.idx.msk [tilespmem:v7+s10+$0x0], $0xffff;
	v7 =	vor.u32 v13, v63  }
0x87: {  	v13 =	vor.u32 $0x803, v0;
	v6 =	vsub.f32 v8, v6;
	v8 =	vld.idx.msk [tilespmem:v9+s12+$0x0], $0xffff;
	v9 =	vor.u32 $0x202, v1  }
0x88: {  	v2 =	vadd.f32 v4, v2;
	v4 =	vld.idx.msk [tilespmem:v11+s10+$0x0], $0xffff;
	v11 =	vor.u32 v13, v63  }
0x89: {  	v6 =	vmul.f32 v6, v6;
	v3 =	vsub.f32 v10, v3;
	v10 =	vld.idx.msk [tilespmem:v12+s12+$0x0], $0xffff;
	v12 =	vor.u32 $0x203, v1  }
0x8a: {  	v13 =	vor.u32 $0x804, v0  }
0x8b: {  	v2 =	vadd.f32 v6, v2;
	v3 =	vmul.f32 v3, v3;
	v6 =	vld.idx.msk [tilespmem:v7+s10+$0x0], $0xffff;
	v7 =	vor.u32 v13, v63  }
0x8c: {  	v13 =	vor.u32 $0x805, v0;
	v5 =	vsub.f32 v8, v5;
	v8 =	vld.idx.msk [tilespmem:v9+s12+$0x0], $0xffff;
	v9 =	vor.u32 $0x204, v1  }
0x8d: {  	v2 =	vadd.f32 v3, v2;
	v3 =	vld.idx.msk [tilespmem:v11+s10+$0x0], $0xffff;
	v11 =	vor.u32 v13, v63  }
0x8e: {  	v5 =	vmul.f32 v5, v5;
	v4 =	vsub.f32 v10, v4;
	v10 =	vld.idx.msk [tilespmem:v12+s12+$0x0], $0xffff;
	v12 =	vor.u32 $0x205, v1  }
0x8f: {  	v13 =	vor.u32 $0x806, v0  }
0x90: {  	v2 =	vadd.f32 v5, v2;
	v4 =	vmul.f32 v4, v4;
	v5 =	vld.idx.msk [tilespmem:v7+s10+$0x0], $0xffff;
	v7 =	vor.u32 v13, v63  }
0x91: {  	v13 =	vor.u32 $0x807, v0;
	v6 =	vsub.f32 v8, v6;
	v8 =	vld.idx.msk [tilespmem:v9+s12+$0x0], $0xffff;
	v9 =	vor.u32 $0x206, v1  }
0x92: {  	v2 =	vadd.f32 v4, v2;
	v4 =	vld.idx.msk [tilespmem:v11+s10+$0x0], $0xffff;
	v11 =	vor.u32 v13, v63  }
0x93: {  	v6 =	vmul.f32 v6, v6;
	v3 =	vsub.f32 v10, v3;
	v10 =	vld.idx.msk [tilespmem:v12+s12+$0x0], $0xffff;
	v12 =	vor.u32 $0x207, v1  }
0x94: {  	v13 =	vor.u32 $0x808, v0  }
0x95: {  	v2 =	vadd.f32 v6, v2;
	v3 =	vmul.f32 v3, v3;
	v6 =	vld.idx.msk [tilespmem:v7+s10+$0x0], $0xffff;
	v7 =	vor.u32 v13, v63  }
0x96: {  	v13 =	vor.u32 $0x809, v0;
	v5 =	vsub.f32 v8, v5;
	v8 =	vld.idx.msk [tilespmem:v9+s12+$0x0], $0xffff;
	v9 =	vor.u32 $0x208, v1  }
0x97: {  	v2 =	vadd.f32 v3, v2;
	v3 =	vld.idx.msk [tilespmem:v11+s10+$0x0], $0xffff;
	v11 =	vor.u32 v13, v63  }
0x98: {  	v5 =	vmul.f32 v5, v5;
	v4 =	vsub.f32 v10, v4;
	v10 =	vld.idx.msk [tilespmem:v12+s12+$0x0], $0xffff;
	v12 =	vor.u32 $0x209, v1  }
0x99: {  	v13 =	vor.u32 $0x80A, v0  }
0x9a: {  	v2 =	vadd.f32 v5, v2;
	v4 =	vmul.f32 v4, v4;
	v5 =	vld.idx.msk [tilespmem:v7+s10+$0x0], $0xffff;
	v7 =	vor.u32 v13, v63  }
0x9b: {  	v13 =	vor.u32 $0x80B, v0;
	v6 =	vsub.f32 v8, v6;
	v8 =	vld.idx.msk [tilespmem:v9+s12+$0x0], $0xffff;
	v9 =	vor.u32 $0x20A, v1  }
0x9c: {  	v2 =	vadd.f32 v4, v2;
	v4 =	vld.idx.msk [tilespmem:v11+s10+$0x0], $0xffff;
	v11 =	vor.u32 v13, v63  }
0x9d: {  	v6 =	vmul.f32 v6, v6;
	v3 =	vsub.f32 v10, v3;
	v10 =	vld.idx.msk [tilespmem:v12+s12+$0x0], $0xffff;
	v12 =	vor.u32 $0x20B, v1  }
0x9e: {  	v13 =	vor.u32 $0x80C, v0  }
0x9f: {  	v2 =	vadd.f32 v6, v2;
	v3 =	vmul.f32 v3, v3;
	v6 =	vld.idx.msk [tilespmem:v7+s10+$0x0], $0xffff;
	v7 =	vor.u32 v13, v63  }
0xa0: {  	v13 =	vor.u32 $0x80D, v0;
	v5 =	vsub.f32 v8, v5;
	v8 =	vld.idx.msk [tilespmem:v9+s12+$0x0], $0xffff;
	v9 =	vor.u32 $0x20C, v1  }
0xa1: {  	v2 =	vadd.f32 v3, v2;
	v3 =	vld.idx.msk [tilespmem:v11+s10+$0x0], $0xffff;
	v11 =	vor.u32 v13, v63  }
0xa2: {  	v5 =	vmul.f32 v5, v5;
	v4 =	vsub.f32 v10, v4;
	v10 =	vld.idx.msk [tilespmem:v12+s12+$0x0], $0xffff;
	v12 =	vor.u32 $0x20D, v1  }
0xa3: {  	v13 =	vor.u32 $0x80E, v0  }
0xa4: {  	v2 =	vadd.f32 v5, v2;
	v4 =	vmul.f32 v4, v4;
	v5 =	vld.idx.msk [tilespmem:v7+s10+$0x0], $0xffff;
	v7 =	vor.u32 v13, v63  }
0xa5: {  	v13 =	vor.u32 $0x80F, v0;
	v6 =	vsub.f32 v8, v6;
	v8 =	vld.idx.msk [tilespmem:v9+s12+$0x0], $0xffff;
	v9 =	vor.u32 $0x20E, v1  }
0xa6: {  	v2 =	vadd.f32 v4, v2;
	v4 =	vld.idx.msk [tilespmem:v11+s10+$0x0], $0xffff;
	v11 =	vor.u32 v13, v63  }
0xa7: {  	v6 =	vmul.f32 v6, v6;
	v3 =	vsub.f32 v10, v3;
	v10 =	vld.idx.msk [tilespmem:v12+s12+$0x0], $0xffff;
	v12 =	vor.u32 $0x20F, v1  }
0xa8: {  	v13 =	vor.u32 $0x810, v0  }
0xa9: {  	v2 =	vadd.f32 v6, v2;
	v3 =	vmul.f32 v3, v3;
	v6 =	vld.idx.msk [tilespmem:v7+s10+$0x0], $0xffff;
	v7 =	vor.u32 v13, v63  }
0xaa: {  	v13 =	vor.u32 $0x811, v0;
	v5 =	vsub.f32 v8, v5;
	v8 =	vld.idx.msk [tilespmem:v9+s12+$0x0], $0xffff;
	v9 =	vor.u32 $0x210, v1  }
0xab: {  	v2 =	vadd.f32 v3, v2;
	v3 =	vld.idx.msk [tilespmem:v11+s10+$0x0], $0xffff;
	v11 =	vor.u32 v13, v63  }
0xac: {  	v5 =	vmul.f32 v5, v5;
	v4 =	vsub.f32 v10, v4;
	v10 =	vld.idx.msk [tilespmem:v12+s12+$0x0], $0xffff;
	v12 =	vor.u32 $0x211, v1  }
0xad: {  	v13 =	vor.u32 $0x812, v0  }
0xae: {  	v2 =	vadd.f32 v5, v2;
	v4 =	vmul.f32 v4, v4;
	v5 =	vld.idx.msk [tilespmem:v7+s10+$0x0], $0xffff;
	v7 =	vor.u32 v13, v63  }
0xaf: {  	v13 =	vor.u32 $0x813, v0;
	v6 =	vsub.f32 v8, v6;
	v8 =	vld.idx.msk [tilespmem:v9+s12+$0x0], $0xffff;
	v9 =	vor.u32 $0x212, v1  }
0xb0: {  	v2 =	vadd.f32 v4, v2;
	v4 =	vld.idx.msk [tilespmem:v11+s10+$0x0], $0xffff;
	v11 =	vor.u32 v13, v63  }
0xb1: {  	v6 =	vmul.f32 v6, v6;
	v3 =	vsub.f32 v10, v3;
	v10 =	vld.idx.msk [tilespmem:v12+s12+$0x0], $0xffff;
	v12 =	vor.u32 $0x213, v1  }
0xb2: {  	v13 =	vor.u32 $0x814, v0  }
0xb3: {  	v2 =	vadd.f32 v6, v2;
	v3 =	vmul.f32 v3, v3;
	v6 =	vld.idx.msk [tilespmem:v7+s10+$0x0], $0xffff;
	v7 =	vor.u32 v13, v63  }
0xb4: {  	v13 =	vor.u32 $0x815, v0;
	v5 =	vsub.f32 v8, v5;
	v8 =	vld.idx.msk [tilespmem:v9+s12+$0x0], $0xffff;
	v9 =	vor.u32 $0x214, v1  }
0xb5: {  	v2 =	vadd.f32 v3, v2;
	v3 =	vld.idx.msk [tilespmem:v11+s10+$0x0], $0xffff;
	v11 =	vor.u32 v13, v63  }
0xb6: {  	v5 =	vmul.f32 v5, v5;
	v4 =	vsub.f32 v10, v4;
	v10 =	vld.idx.msk [tilespmem:v12+s12+$0x0], $0xffff;
	v12 =	vor.u32 $0x215, v1  }
0xb7: {  	v13 =	vor.u32 $0x816, v0  }
0xb8: {  	v2 =	vadd.f32 v5, v2;
	v4 =	vmul.f32 v4, v4;
	v5 =	vld.idx.msk [tilespmem:v7+s10+$0x0], $0xffff;
	v7 =	vor.u32 v13, v63  }
0xb9: {  	v6 =	vsub.f32 v8, v6;
	v8 =	vld.idx.msk [tilespmem:v9+s12+$0x0], $0xffff;
	v9 =	vor.u32 $0x216, v1  }
0xba: {  	v14 =	vor.u32 $0x817, v0;
	v2 =	vadd.f32 v4, v2;
	v4 =	vld.idx.msk [tilespmem:v11+s10+$0x0], $0xffff  }
0xbb: {  	v11 =	vor.u32 v14, v63;
	v6 =	vmul.f32 v6, v6;
	v3 =	vsub.f32 v10, v3;
	v10 =	vld.idx.msk [tilespmem:v12+s12+$0x0], $0xffff  }
0xbc: {  	v13 =	vor.u32 $0x818, v0;
	v12 =	vor.u32 $0x217, v1  }
0xbd: {  	v2 =	vadd.f32 v6, v2;
	v3 =	vmul.f32 v3, v3;
	v6 =	vld.idx.msk [tilespmem:v7+s10+$0x0], $0xffff;
	v7 =	vor.u32 v13, v63  }
0xbe: {  	v5 =	vsub.f32 v8, v5;
	v8 =	vld.idx.msk [tilespmem:v9+s12+$0x0], $0xffff;
	v9 =	vor.u32 $0x218, v1  }
0xbf: {  	v2 =	vadd.f32 v3, v2;
	v3 =	vor.u32 $0x819, v0  }
0xc0: {  	v5 =	vmul.f32 v5, v5;
	v4 =	vsub.f32 v10, v4;
	v10 =	vld.idx.msk [tilespmem:v11+s10+$0x0], $0xffff;
	v3 =	vor.u32 v3, v63  }
0xc1: {  	v13 =	vor.u32 $0x81A, v0;
	v11 =	vld.idx.msk [tilespmem:v12+s12+$0x0], $0xffff;
	v12 =	vor.u32 $0x219, v1  }
0xc2: {  	v2 =	vadd.f32 v5, v2;
	v4 =	vmul.f32 v4, v4;
	v5 =	vld.idx.msk [tilespmem:v7+s10+$0x0], $0xffff;
	v7 =	vor.u32 v13, v63  }
0xc3: {  	v13 =	vor.u32 $0x81B, v0;
	v6 =	vsub.f32 v8, v6;
	v8 =	vld.idx.msk [tilespmem:v9+s12+$0x0], $0xffff;
	v9 =	vor.u32 $0x21A, v1  }
0xc4: {  	v2 =	vadd.f32 v4, v2;
	v4 =	vor.u32 v13, v63  }
0xc5: {  	v14 =	vor.u32 $0x81C, v0;
	v13 =	vor.u32 $0x21B, v1;
	v6 =	vmul.f32 v6, v6;
	v3 =	vld.idx.msk [tilespmem:v3+s10+$0x0], $0xffff  }
0xc6: {  	v10 =	vsub.f32 v11, v10;
	v11 =	vld.idx.msk [tilespmem:v12+s12+$0x0], $0xffff;
	v12 =	vor.u32 v14, v63  }
0xc7: {  	v14 =	vor.u32 $0x81D, v0;
	v2 =	vadd.f32 v6, v2;
	v6 =	vld.idx.msk [tilespmem:v7+s10+$0x0], $0xffff;
	v7 =	vor.u32 $0x21C, v1  }
0xc8: {  	v10 =	vmul.f32 v10, v10;
	v5 =	vsub.f32 v8, v5;
	v8 =	vld.idx.msk [tilespmem:v9+s12+$0x0], $0xffff;
	v9 =	vor.u32 v14, v63  }
0xc9: {  	v15 =	vor.u32 $0x81E, v0;
	v14 =	vor.u32 $0x21D, v1;
	v4 =	vld.idx.msk [tilespmem:v4+s10+$0x0], $0xffff  }
0xca: {  	v2 =	vadd.f32 v10, v2;
	v10 =	vld.idx.msk [tilespmem:v13+s12+$0x0], $0xffff;
	v13 =	vor.u32 v15, v63;
	v5 =	vmul.f32 v5, v5  }
0xcb: {  	v15 =	vor.u32 $0x81F, v0;
	v3 =	vsub.f32 v11, v3;
	v11 =	vld.idx.msk [tilespmem:v12+s10+$0x0], $0xffff;
	v12 =	vor.u32 $0x21E, v1  }
0xcc: {  	v2 =	vadd.f32 v5, v2;
	v5 =	vor.u32 v15, v63;
	v7 =	vld.idx.msk [tilespmem:v7+s12+$0x0], $0xffff  }
0xcd: {  	v3 =	vmul.f32 v3, v3;
	v6 =	vsub.f32 v8, v6;
	v8 =	vld.idx.msk [tilespmem:v9+s10+$0x0], $0xffff;
	v9 =	vor.u32 $0x21F, v1  }
0xce: {  	v14 =	vld.idx.msk [tilespmem:v14+s12+$0x0], $0xffff  }
0xcf: {  	v2 =	vadd.f32 v3, v2;
	v3 =	vsub.f32 v10, v4;
	v4 =	vmul.f32 v6, v6;
	v6 =	vld.idx.msk [tilespmem:v13+s10+$0x0], $0xffff  }
0xd0: {  	v63 =	vld.idx.msk [tilespmem:v12+s12+$0x0], $0xffff  }
0xd1: {  	v3 =	vmul.f32 v3, v3;
	v2 =	vadd.f32 v4, v2;
	v12 =	vsub.f32 v7, v11;
	v5 =	vld.idx.msk [tilespmem:v5+s10+$0x0], $0xffff  }
0xd2: {  	v13 =	vld.idx.msk [tilespmem:v9+s12+$0x0], $0xffff  }
0xd3: {  	v2 =	vadd.f32 v3, v2;
	v3 =	vsub.f32 v14, v8;
	v4 =	vmul.f32 v12, v12;
	_ =	sdelay $0x1  }
0xd4: {  	v63 =	vsub.f32 v63, v6;
	v2 =	vadd.f32 v4, v2;
	v3 =	vmul.f32 v3, v3;
	_ =	sdelay $0x1  }
0xd5: {  	v4 =	vmul.f32 v63, v63;
	v2 =	vadd.f32 v3, v2;
	v3 =	vsub.f32 v13, v5;
	_ =	sdelay $0x1  }
0xd6: {  	v2 =	vadd.f32 v4, v2;
	v3 =	vmul.f32 v3, v3;
	_ =	sdelay $0x1  }
0xd7: {  	v2 =	vadd.f32 v3, v2  }
0xd8: {  	p0 =	sne.s32 s7, $0x1  }
.Ltmp0:
0xd9: {  	[tilespmem:$0x1440] =	vst v2;
	(pc) =	sbr.rel @p0 .LBB2_1-.Ltmp0, $4  }
0xda: {  	[hbm4b:s6+s2] =	stream.linear.scatter [tilespmem:s13], [sflag:$0x2], $0x10, $0x38;
	[tilespmem:$0x1450] =	vst v63  }
0xdb: {  	_ =	swait.ge [sflag:s8], $0x10  }
0xdc: {  	[sflag:s8] =	ssyncset.done $0x0  }
0xdd: {  	s7 =	sadd.s32 $0xFFFFFFFF, s7;
	[sflag:s8] =	ssyncadd.s32 $0xFFFFFFF0  }
0xde: {  	_ =	sfence.sel $0x180000  }
0xdf: {  	[bflag:$0x0] =	sbarrier.arrive $0xFFFF  }
0xe0: {  	p0 =	sne.s32 s1, $0x0;
	_ =	strace $0x90000047  }
0xe1: {  	s0 =	sadd.s32 @!p0 $0x100000, s0;
	[bflag:$0x2] =	sbarrier.arrive $0xFFFF  }
0xe2: {  	[sflag:s0] =	ssyncadd.tile.s32 @!p0 $0x1;
	_ =	shalt  }
.Lfunc_end2:
_tile_overlayer_lowered:
.L_overlay_start_2:
0xe3: {  	(tag) =	ssettag $0x2  }
0xe4: {  	s0 =	rddreg [dreg:$0x0];
	s2 =	stileid.u32  }
0xe5: {  	s1 =	rddreg [dreg:$0x1];
	p0 =	sne.s32 s2, $0x0  }
0xe6: {  	s3 =	rddreg [dreg:$0x2];
	[bflag:$0x3] =	sbarrier.arrive $0xFFFF;
	s2 =	simm.s32 @!p0 $0x1C02  }
0xe7: {  	[timem:s3], [sflag:s2] =	dma.local @!p0 [hbm:s0], s1  }
0xe8: {  	s0 =	simm.s32 @!p0 $0x2  }
0xe9: {  	_ =	swait.ge @!p0 [sflag:s0], s1  }
0xea: {  	s1 =	ssub.s32 @!p0 $0x0, s1;
	[sflag:s0] =	ssyncset.done @!p0 $0x0  }
0xeb: {  	[sflag:s0] =	ssyncadd.s32 @!p0 s1  }
0xec: {  	[bflag:$0x3] =	sbarrier.arrive $0xFFFF  }
0xed: {  	_ =	shalt  }

</sc_bundles>
